<compile_context>
chip_gen: v7x
topology: tpu7x:2x2x1
jax: 0.10.2.dev20260603
libtpu: 0.0.44.dev20260713+nightly
codegen_flags: <defaults>
</compile_context>

<pallas_src>
import functools

import jax
import jax.numpy as jnp
from jax.experimental import pallas as pl
from jax.experimental.pallas import tpu as pltpu

_B = 8
_P = 784
_NLEV = 1000
_D = 10000
_DPAD = 10240
_TD = 2048
_SUB = _TD // 128
_GRID = _DPAD // _TD
_NCLS = 10


def _encode_body(xs_ref, lum_ref, pos_ref, out_ref):
    for b in range(_B):
        base = b * _P

        def body(i, acc):
            for j in range(8):
                p = i * 8 + j
                idx = xs_ref[base + p]
                acc = acc + lum_ref[idx] * pos_ref[p]
            return acc

        acc = jax.lax.fori_loop(
            0, _P // 8, body, jnp.zeros((_SUB, 128), jnp.float32))
        out_ref[b] = jnp.tanh(acc)


def _classify_body(enc_ref, w_ref, bias_ref, out_ref):
    out_ref[...] = jax.lax.dot_general(
        enc_ref[...], w_ref[...],
        (((1,), (1,)), ((), ())),
        preferred_element_type=jnp.float32) + bias_ref[...]


def kernel(x, pos_table, lum_table, W, b):
    xf = x.reshape(_B * _P).astype(jnp.int32)
    lum3 = jnp.pad(lum_table, ((0, 0), (0, _DPAD - _D))).reshape(
        _NLEV, _DPAD // 128, 128)
    pos3 = jnp.pad(pos_table, ((0, 0), (0, _DPAD - _D))).reshape(
        _P, _DPAD // 128, 128)
    enc3 = pl.pallas_call(
        _encode_body,
        grid_spec=pltpu.PrefetchScalarGridSpec(
            num_scalar_prefetch=1,
            grid=(_GRID,),
            in_specs=[
                pl.BlockSpec((_NLEV, _SUB, 128), lambda d, xs: (0, d, 0)),
                pl.BlockSpec((_P, _SUB, 128), lambda d, xs: (0, d, 0)),
            ],
            out_specs=pl.BlockSpec((_B, _SUB, 128), lambda d, xs: (0, d, 0)),
        ),
        out_shape=jax.ShapeDtypeStruct((_B, _DPAD // 128, 128), jnp.float32),
    )(xf, lum3, pos3)
    enc = enc3.reshape(_B, _DPAD)
    w_pad = jnp.pad(W, ((0, 128 - _NCLS), (0, _DPAD - _D)))
    bias_pad = jnp.pad(b, (0, 128 - _NCLS)).reshape(1, 128)
    logits = pl.pallas_call(
        _classify_body,
        out_shape=jax.ShapeDtypeStruct((_B, 128), jnp.float32),
    )(enc, w_pad, bias_pad)
    return logits[:, :_NCLS]

# --- scband reference (transcript-rebuilt; emitter-appended) ---
"""Pipeline reference for scband-model-66941360275595 (READ-ONLY COPY).

The authoritative reference and input builder live on the scoring server;
editing this copy changes nothing except your own understanding.
"""

import jax, jax.numpy as jnp
import numpy as np

DIMENSIONS = 10000
NUM_LEVELS = 1000
SIZE = 28
NUM_CLASSES = 10
BATCH = 8

def setup_inputs(seed: int = 0) -> dict:
    key = jax.random.key(seed)
    k1, k2, k3, k4, k5 = jax.random.split(key, 5)
    x = jax.random.randint(k1, (BATCH, SIZE, SIZE), 0, NUM_LEVELS, dtype=jnp.int64 if jax.config.jax_enable_x64 else jnp.int32).astype(jnp.int32)
    # Random position hypervectors (torchhd.embeddings.Random ~ random bipolar/normal)
    pos_table = jax.random.normal(k2, (SIZE * SIZE, DIMENSIONS), dtype=jnp.float32)
    # Level hypervectors (torchhd.embeddings.Level)
    lum_table = jax.random.normal(k3, (NUM_LEVELS, DIMENSIONS), dtype=jnp.float32)
    # classify Linear(DIMENSIONS, num_classes); original inits to zero, use small random for nontrivial output
    W = jax.random.normal(k4, (NUM_CLASSES, DIMENSIONS), dtype=jnp.float32) * 0.01
    b = jax.random.normal(k5, (NUM_CLASSES,), dtype=jnp.float32) * 0.01
    return {"x": x, "pos_table": pos_table, "lum_table": lum_table, "W": W, "b": b}

def reference(x, pos_table, lum_table, W, b):
    B = x.shape[0]
    xf = x.reshape(B, SIZE * SIZE)
    # Level embedding lookup: gather level hypervectors per pixel
    lum = jnp.take(lum_table, xf, axis=0)            # [B, P, D]
    # HDF.bind (MAP) == elementwise multiply with position hypervectors
    sample_hv = pos_table[None, :, :] * lum           # [B, P, D]
    # bundle: sum over positions
    s = jnp.sum(sample_hv, axis=-2)                   # [B, D]
    # HDF.soft_quantize == tanh
    enc = jnp.tanh(s)
    # classify
    logit = enc @ W.T + b
    return logit

if __name__ == "__main__":
    import jax
    _d = setup_inputs()
    print(jax.jit(kernel)(*tuple(_d.values())))

</pallas_src>

<mosaic_0001>
module attributes {stable_mosaic.version = 14 : i64} {
  func.func @_encode_body(%arg0: i32, %arg1: memref<6272xi32, #tpu.memory_space<smem>>, %arg2: memref<1000x16x128xf32, #tpu.memory_space<vmem>>, %arg3: memref<784x16x128xf32, #tpu.memory_space<vmem>>, %arg4: memref<8x16x128xf32, #tpu.memory_space<vmem>>) attributes {dimension_semantics = [#tpu.dimension_semantics<arbitrary>], iteration_bounds = array<i64: 5>, scalar_prefetch = 1 : i64, scratch_operands = 0 : i64, tpu.core_type = #tpu.core_type<tc>, window_params = [{transform_indices = @transform_0, window_bounds = array<i64: 1000, 16, 128>}, {transform_indices = @transform_1, window_bounds = array<i64: 784, 16, 128>}, {transform_indices = @transform_2, window_bounds = array<i64: 8, 16, 128>}]} {
    %broadcast_in_dim3A = arith.constant 0.000000e+00 : f32
    %broadcast_in_dim3A_0 = vector.broadcast %broadcast_in_dim3A : f32 to vector<16x128xf32>
    %scan3A = arith.constant 0 : i32
    %scan3A_1 = arith.constant 98 : i32
    %scan3A_2 = arith.addi %scan3A, %scan3A_1 : i32
    %scan3A_3 = arith.constant 1 : i32
    %scan3A_4 = scf.for %scan3A_116 = %scan3A to %scan3A_2 step %scan3A_3 iter_args(%scan3A_117 = %broadcast_in_dim3A_0) -> (vector<16x128xf32>)  : i32 {
      %mul3A = arith.constant 8 : i32
      %mul3A_118 = arith.muli %scan3A_116, %mul3A : i32
      %add3A = arith.constant 0 : i32
      %add3A_119 = arith.addi %mul3A_118, %add3A : i32
      %add3A_120 = arith.constant 0 : i32
      %add3A_121 = arith.addi %add3A_120, %add3A_119 : i32
      %get3A = arith.index_cast %add3A_121 : i32 to index
      %get3A_122 = memref.load %arg1[%get3A] : memref<6272xi32, #tpu.memory_space<smem>>
      %get3A_123 = arith.index_cast %get3A_122 : i32 to index
      %get3A_124 = arith.constant 0 : index
      %get3A_125 = arith.constant 0 : index
      %get3A_126 = vector.load %arg2[%get3A_123, %get3A_124, %get3A_125] : memref<1000x16x128xf32, #tpu.memory_space<vmem>>, vector<1x16x128xf32>
      %get3A_127 = vector.shape_cast %get3A_126 : vector<1x16x128xf32> to vector<16x128xf32>
      %get3A_128 = arith.index_cast %add3A_119 : i32 to index
      %get3A_129 = arith.constant 0 : index
      %get3A_130 = arith.constant 0 : index
      %get3A_131 = vector.load %arg3[%get3A_128, %get3A_129, %get3A_130] : memref<784x16x128xf32, #tpu.memory_space<vmem>>, vector<1x16x128xf32>
      %get3A_132 = vector.shape_cast %get3A_131 : vector<1x16x128xf32> to vector<16x128xf32>
      %mul3A_133 = arith.mulf %get3A_127, %get3A_132 : vector<16x128xf32>
      %add3A_134 = arith.addf %scan3A_117, %mul3A_133 : vector<16x128xf32>
      %mul3A_135 = arith.constant 8 : i32
      %mul3A_136 = arith.muli %scan3A_116, %mul3A_135 : i32
      %add3A_137 = arith.constant 1 : i32
      %add3A_138 = arith.addi %mul3A_136, %add3A_137 : i32
      %add3A_139 = arith.constant 0 : i32
      %add3A_140 = arith.addi %add3A_139, %add3A_138 : i32
      %get3A_141 = arith.index_cast %add3A_140 : i32 to index
      %get3A_142 = memref.load %arg1[%get3A_141] : memref<6272xi32, #tpu.memory_space<smem>>
      %get3A_143 = arith.index_cast %get3A_142 : i32 to index
      %get3A_144 = arith.constant 0 : index
      %get3A_145 = arith.constant 0 : index
      %get3A_146 = vector.load %arg2[%get3A_143, %get3A_144, %get3A_145] : memref<1000x16x128xf32, #tpu.memory_space<vmem>>, vector<1x16x128xf32>
      %get3A_147 = vector.shape_cast %get3A_146 : vector<1x16x128xf32> to vector<16x128xf32>
      %get3A_148 = arith.index_cast %add3A_138 : i32 to index
      %get3A_149 = arith.constant 0 : index
      %get3A_150 = arith.constant 0 : index
      %get3A_151 = vector.load %arg3[%get3A_148, %get3A_149, %get3A_150] : memref<784x16x128xf32, #tpu.memory_space<vmem>>, vector<1x16x128xf32>
      %get3A_152 = vector.shape_cast %get3A_151 : vector<1x16x128xf32> to vector<16x128xf32>
      %mul3A_153 = arith.mulf %get3A_147, %get3A_152 : vector<16x128xf32>
      %add3A_154 = arith.addf %add3A_134, %mul3A_153 : vector<16x128xf32>
      %mul3A_155 = arith.constant 8 : i32
      %mul3A_156 = arith.muli %scan3A_116, %mul3A_155 : i32
      %add3A_157 = arith.constant 2 : i32
      %add3A_158 = arith.addi %mul3A_156, %add3A_157 : i32
      %add3A_159 = arith.constant 0 : i32
      %add3A_160 = arith.addi %add3A_159, %add3A_158 : i32
      %get3A_161 = arith.index_cast %add3A_160 : i32 to index
      %get3A_162 = memref.load %arg1[%get3A_161] : memref<6272xi32, #tpu.memory_space<smem>>
      %get3A_163 = arith.index_cast %get3A_162 : i32 to index
      %get3A_164 = arith.constant 0 : index
      %get3A_165 = arith.constant 0 : index
      %get3A_166 = vector.load %arg2[%get3A_163, %get3A_164, %get3A_165] : memref<1000x16x128xf32, #tpu.memory_space<vmem>>, vector<1x16x128xf32>
      %get3A_167 = vector.shape_cast %get3A_166 : vector<1x16x128xf32> to vector<16x128xf32>
      %get3A_168 = arith.index_cast %add3A_158 : i32 to index
      %get3A_169 = arith.constant 0 : index
      %get3A_170 = arith.constant 0 : index
      %get3A_171 = vector.load %arg3[%get3A_168, %get3A_169, %get3A_170] : memref<784x16x128xf32, #tpu.memory_space<vmem>>, vector<1x16x128xf32>
      %get3A_172 = vector.shape_cast %get3A_171 : vector<1x16x128xf32> to vector<16x128xf32>
      %mul3A_173 = arith.mulf %get3A_167, %get3A_172 : vector<16x128xf32>
      %add3A_174 = arith.addf %add3A_154, %mul3A_173 : vector<16x128xf32>
      %mul3A_175 = arith.constant 8 : i32
      %mul3A_176 = arith.muli %scan3A_116, %mul3A_175 : i32
      %add3A_177 = arith.constant 3 : i32
      %add3A_178 = arith.addi %mul3A_176, %add3A_177 : i32
      %add3A_179 = arith.constant 0 : i32
      %add3A_180 = arith.addi %add3A_179, %add3A_178 : i32
      %get3A_181 = arith.index_cast %add3A_180 : i32 to index
      %get3A_182 = memref.load %arg1[%get3A_181] : memref<6272xi32, #tpu.memory_space<smem>>
      %get3A_183 = arith.index_cast %get3A_182 : i32 to index
      %get3A_184 = arith.constant 0 : index
      %get3A_185 = arith.constant 0 : index
      %get3A_186 = vector.load %arg2[%get3A_183, %get3A_184, %get3A_185] : memref<1000x16x128xf32, #tpu.memory_space<vmem>>, vector<1x16x128xf32>
      %get3A_187 = vector.shape_cast %get3A_186 : vector<1x16x128xf32> to vector<16x128xf32>
      %get3A_188 = arith.index_cast %add3A_178 : i32 to index
      %get3A_189 = arith.constant 0 : index
      %get3A_190 = arith.constant 0 : index
      %get3A_191 = vector.load %arg3[%get3A_188, %get3A_189, %get3A_190] : memref<784x16x128xf32, #tpu.memory_space<vmem>>, vector<1x16x128xf32>
      %get3A_192 = vector.shape_cast %get3A_191 : vector<1x16x128xf32> to vector<16x128xf32>
      %mul3A_193 = arith.mulf %get3A_187, %get3A_192 : vector<16x128xf32>
      %add3A_194 = arith.addf %add3A_174, %mul3A_193 : vector<16x128xf32>
      %mul3A_195 = arith.constant 8 : i32
      %mul3A_196 = arith.muli %scan3A_116, %mul3A_195 : i32
      %add3A_197 = arith.constant 4 : i32
      %add3A_198 = arith.addi %mul3A_196, %add3A_197 : i32
      %add3A_199 = arith.constant 0 : i32
      %add3A_200 = arith.addi %add3A_199, %add3A_198 : i32
      %get3A_201 = arith.index_cast %add3A_200 : i32 to index
      %get3A_202 = memref.load %arg1[%get3A_201] : memref<6272xi32, #tpu.memory_space<smem>>
      %get3A_203 = arith.index_cast %get3A_202 : i32 to index
      %get3A_204 = arith.constant 0 : index
      %get3A_205 = arith.constant 0 : index
      %get3A_206 = vector.load %arg2[%get3A_203, %get3A_204, %get3A_205] : memref<1000x16x128xf32, #tpu.memory_space<vmem>>, vector<1x16x128xf32>
      %get3A_207 = vector.shape_cast %get3A_206 : vector<1x16x128xf32> to vector<16x128xf32>
      %get3A_208 = arith.index_cast %add3A_198 : i32 to index
      %get3A_209 = arith.constant 0 : index
      %get3A_210 = arith.constant 0 : index
      %get3A_211 = vector.load %arg3[%get3A_208, %get3A_209, %get3A_210] : memref<784x16x128xf32, #tpu.memory_space<vmem>>, vector<1x16x128xf32>
      %get3A_212 = vector.shape_cast %get3A_211 : vector<1x16x128xf32> to vector<16x128xf32>
      %mul3A_213 = arith.mulf %get3A_207, %get3A_212 : vector<16x128xf32>
      %add3A_214 = arith.addf %add3A_194, %mul3A_213 : vector<16x128xf32>
      %mul3A_215 = arith.constant 8 : i32
      %mul3A_216 = arith.muli %scan3A_116, %mul3A_215 : i32
      %add3A_217 = arith.constant 5 : i32
      %add3A_218 = arith.addi %mul3A_216, %add3A_217 : i32
      %add3A_219 = arith.constant 0 : i32
      %add3A_220 = arith.addi %add3A_219, %add3A_218 : i32
      %get3A_221 = arith.index_cast %add3A_220 : i32 to index
      %get3A_222 = memref.load %arg1[%get3A_221] : memref<6272xi32, #tpu.memory_space<smem>>
      %get3A_223 = arith.index_cast %get3A_222 : i32 to index
      %get3A_224 = arith.constant 0 : index
      %get3A_225 = arith.constant 0 : index
      %get3A_226 = vector.load %arg2[%get3A_223, %get3A_224, %get3A_225] : memref<1000x16x128xf32, #tpu.memory_space<vmem>>, vector<1x16x128xf32>
      %get3A_227 = vector.shape_cast %get3A_226 : vector<1x16x128xf32> to vector<16x128xf32>
      %get3A_228 = arith.index_cast %add3A_218 : i32 to index
      %get3A_229 = arith.constant 0 : index
      %get3A_230 = arith.constant 0 : index
      %get3A_231 = vector.load %arg3[%get3A_228, %get3A_229, %get3A_230] : memref<784x16x128xf32, #tpu.memory_space<vmem>>, vector<1x16x128xf32>
      %get3A_232 = vector.shape_cast %get3A_231 : vector<1x16x128xf32> to vector<16x128xf32>
      %mul3A_233 = arith.mulf %get3A_227, %get3A_232 : vector<16x128xf32>
      %add3A_234 = arith.addf %add3A_214, %mul3A_233 : vector<16x128xf32>
      %mul3A_235 = arith.constant 8 : i32
      %mul3A_236 = arith.muli %scan3A_116, %mul3A_235 : i32
      %add3A_237 = arith.constant 6 : i32
      %add3A_238 = arith.addi %mul3A_236, %add3A_237 : i32
      %add3A_239 = arith.constant 0 : i32
      %add3A_240 = arith.addi %add3A_239, %add3A_238 : i32
      %get3A_241 = arith.index_cast %add3A_240 : i32 to index
      %get3A_242 = memref.load %arg1[%get3A_241] : memref<6272xi32, #tpu.memory_space<smem>>
      %get3A_243 = arith.index_cast %get3A_242 : i32 to index
      %get3A_244 = arith.constant 0 : index
      %get3A_245 = arith.constant 0 : index
      %get3A_246 = vector.load %arg2[%get3A_243, %get3A_244, %get3A_245] : memref<1000x16x128xf32, #tpu.memory_space<vmem>>, vector<1x16x128xf32>
      %get3A_247 = vector.shape_cast %get3A_246 : vector<1x16x128xf32> to vector<16x128xf32>
      %get3A_248 = arith.index_cast %add3A_238 : i32 to index
      %get3A_249 = arith.constant 0 : index
      %get3A_250 = arith.constant 0 : index
      %get3A_251 = vector.load %arg3[%get3A_248, %get3A_249, %get3A_250] : memref<784x16x128xf32, #tpu.memory_space<vmem>>, vector<1x16x128xf32>
      %get3A_252 = vector.shape_cast %get3A_251 : vector<1x16x128xf32> to vector<16x128xf32>
      %mul3A_253 = arith.mulf %get3A_247, %get3A_252 : vector<16x128xf32>
      %add3A_254 = arith.addf %add3A_234, %mul3A_253 : vector<16x128xf32>
      %mul3A_255 = arith.constant 8 : i32
      %mul3A_256 = arith.muli %scan3A_116, %mul3A_255 : i32
      %add3A_257 = arith.constant 7 : i32
      %add3A_258 = arith.addi %mul3A_256, %add3A_257 : i32
      %add3A_259 = arith.constant 0 : i32
      %add3A_260 = arith.addi %add3A_259, %add3A_258 : i32
      %get3A_261 = arith.index_cast %add3A_260 : i32 to index
      %get3A_262 = memref.load %arg1[%get3A_261] : memref<6272xi32, #tpu.memory_space<smem>>
      %get3A_263 = arith.index_cast %get3A_262 : i32 to index
      %get3A_264 = arith.constant 0 : index
      %get3A_265 = arith.constant 0 : index
      %get3A_266 = vector.load %arg2[%get3A_263, %get3A_264, %get3A_265] : memref<1000x16x128xf32, #tpu.memory_space<vmem>>, vector<1x16x128xf32>
      %get3A_267 = vector.shape_cast %get3A_266 : vector<1x16x128xf32> to vector<16x128xf32>
      %get3A_268 = arith.index_cast %add3A_258 : i32 to index
      %get3A_269 = arith.constant 0 : index
      %get3A_270 = arith.constant 0 : index
      %get3A_271 = vector.load %arg3[%get3A_268, %get3A_269, %get3A_270] : memref<784x16x128xf32, #tpu.memory_space<vmem>>, vector<1x16x128xf32>
      %get3A_272 = vector.shape_cast %get3A_271 : vector<1x16x128xf32> to vector<16x128xf32>
      %mul3A_273 = arith.mulf %get3A_267, %get3A_272 : vector<16x128xf32>
      %add3A_274 = arith.addf %add3A_254, %mul3A_273 : vector<16x128xf32>
      scf.yield %add3A_274 : vector<16x128xf32>
    }
    %scan3A_5 = arith.constant 98 : i32
    %tanh3A = math.tanh %scan3A_4 : vector<16x128xf32>
    %swap3A = arith.constant 0 : index
    %swap3A_6 = arith.constant 0 : index
    %swap3A_7 = arith.constant 0 : index
    %swap3A_8 = vector.load %arg4[%swap3A, %swap3A_6, %swap3A_7] : memref<8x16x128xf32, #tpu.memory_space<vmem>>, vector<1x16x128xf32>
    %swap3A_9 = vector.shape_cast %swap3A_8 : vector<1x16x128xf32> to vector<16x128xf32>
    %swap3A_10 = vector.shape_cast %tanh3A : vector<16x128xf32> to vector<1x16x128xf32>
    tpu.vector_store %arg4[%swap3A, %swap3A_6, %swap3A_7], %swap3A_10 {strides = array<i32>} : memref<8x16x128xf32, #tpu.memory_space<vmem>>, vector<1x16x128xf32>,
    %broadcast_in_dim3A_11 = arith.constant 0.000000e+00 : f32
    %broadcast_in_dim3A_12 = vector.broadcast %broadcast_in_dim3A_11 : f32 to vector<16x128xf32>
    %scan3A_13 = arith.constant 0 : i32
    %scan3A_14 = arith.constant 98 : i32
    %scan3A_15 = arith.addi %scan3A_13, %scan3A_14 : i32
    %scan3A_16 = arith.constant 1 : i32
    %scan3A_17 = scf.for %scan3A_116 = %scan3A_13 to %scan3A_15 step %scan3A_16 iter_args(%scan3A_117 = %broadcast_in_dim3A_12) -> (vector<16x128xf32>)  : i32 {
      %mul3A = arith.constant 8 : i32
      %mul3A_118 = arith.muli %scan3A_116, %mul3A : i32
      %add3A = arith.constant 0 : i32
      %add3A_119 = arith.addi %mul3A_118, %add3A : i32
      %add3A_120 = arith.constant 784 : i32
      %add3A_121 = arith.addi %add3A_120, %add3A_119 : i32
      %get3A = arith.index_cast %add3A_121 : i32 to index
      %get3A_122 = memref.load %arg1[%get3A] : memref<6272xi32, #tpu.memory_space<smem>>
      %get3A_123 = arith.index_cast %get3A_122 : i32 to index
      %get3A_124 = arith.constant 0 : index
      %get3A_125 = arith.constant 0 : index
      %get3A_126 = vector.load %arg2[%get3A_123, %get3A_124, %get3A_125] : memref<1000x16x128xf32, #tpu.memory_space<vmem>>, vector<1x16x128xf32>
      %get3A_127 = vector.shape_cast %get3A_126 : vector<1x16x128xf32> to vector<16x128xf32>
      %get3A_128 = arith.index_cast %add3A_119 : i32 to index
      %get3A_129 = arith.constant 0 : index
      %get3A_130 = arith.constant 0 : index
      %get3A_131 = vector.load %arg3[%get3A_128, %get3A_129, %get3A_130] : memref<784x16x128xf32, #tpu.memory_space<vmem>>, vector<1x16x128xf32>
      %get3A_132 = vector.shape_cast %get3A_131 : vector<1x16x128xf32> to vector<16x128xf32>
      %mul3A_133 = arith.mulf %get3A_127, %get3A_132 : vector<16x128xf32>
      %add3A_134 = arith.addf %scan3A_117, %mul3A_133 : vector<16x128xf32>
      %mul3A_135 = arith.constant 8 : i32
      %mul3A_136 = arith.muli %scan3A_116, %mul3A_135 : i32
      %add3A_137 = arith.constant 1 : i32
      %add3A_138 = arith.addi %mul3A_136, %add3A_137 : i32
      %add3A_139 = arith.constant 784 : i32
      %add3A_140 = arith.addi %add3A_139, %add3A_138 : i32
      %get3A_141 = arith.index_cast %add3A_140 : i32 to index
      %get3A_142 = memref.load %arg1[%get3A_141] : memref<6272xi32, #tpu.memory_space<smem>>
      %get3A_143 = arith.index_cast %get3A_142 : i32 to index
      %get3A_144 = arith.constant 0 : index
      %get3A_145 = arith.constant 0 : index
      %get3A_146 = vector.load %arg2[%get3A_143, %get3A_144, %get3A_145] : memref<1000x16x128xf32, #tpu.memory_space<vmem>>, vector<1x16x128xf32>
      %get3A_147 = vector.shape_cast %get3A_146 : vector<1x16x128xf32> to vector<16x128xf32>
      %get3A_148 = arith.index_cast %add3A_138 : i32 to index
      %get3A_149 = arith.constant 0 : index
      %get3A_150 = arith.constant 0 : index
      %get3A_151 = vector.load %arg3[%get3A_148, %get3A_149, %get3A_150] : memref<784x16x128xf32, #tpu.memory_space<vmem>>, vector<1x16x128xf32>
      %get3A_152 = vector.shape_cast %get3A_151 : vector<1x16x128xf32> to vector<16x128xf32>
      %mul3A_153 = arith.mulf %get3A_147, %get3A_152 : vector<16x128xf32>
      %add3A_154 = arith.addf %add3A_134, %mul3A_153 : vector<16x128xf32>
      %mul3A_155 = arith.constant 8 : i32
      %mul3A_156 = arith.muli %scan3A_116, %mul3A_155 : i32
      %add3A_157 = arith.constant 2 : i32
      %add3A_158 = arith.addi %mul3A_156, %add3A_157 : i32
      %add3A_159 = arith.constant 784 : i32
      %add3A_160 = arith.addi %add3A_159, %add3A_158 : i32
      %get3A_161 = arith.index_cast %add3A_160 : i32 to index
      %get3A_162 = memref.load %arg1[%get3A_161] : memref<6272xi32, #tpu.memory_space<smem>>
      %get3A_163 = arith.index_cast %get3A_162 : i32 to index
      %get3A_164 = arith.constant 0 : index
      %get3A_165 = arith.constant 0 : index
      %get3A_166 = vector.load %arg2[%get3A_163, %get3A_164, %get3A_165] : memref<1000x16x128xf32, #tpu.memory_space<vmem>>, vector<1x16x128xf32>
      %get3A_167 = vector.shape_cast %get3A_166 : vector<1x16x128xf32> to vector<16x128xf32>
      %get3A_168 = arith.index_cast %add3A_158 : i32 to index
      %get3A_169 = arith.constant 0 : index
      %get3A_170 = arith.constant 0 : index
      %get3A_171 = vector.load %arg3[%get3A_168, %get3A_169, %get3A_170] : memref<784x16x128xf32, #tpu.memory_space<vmem>>, vector<1x16x128xf32>
      %get3A_172 = vector.shape_cast %get3A_171 : vector<1x16x128xf32> to vector<16x128xf32>
      %mul3A_173 = arith.mulf %get3A_167, %get3A_172 : vector<16x128xf32>
      %add3A_174 = arith.addf %add3A_154, %mul3A_173 : vector<16x128xf32>
      %mul3A_175 = arith.constant 8 : i32
      %mul3A_176 = arith.muli %scan3A_116, %mul3A_175 : i32
      %add3A_177 = arith.constant 3 : i32
      %add3A_178 = arith.addi %mul3A_176, %add3A_177 : i32
      %add3A_179 = arith.constant 784 : i32
      %add3A_180 = arith.addi %add3A_179, %add3A_178 : i32
      %get3A_181 = arith.index_cast %add3A_180 : i32 to index
      %get3A_182 = memref.load %arg1[%get3A_181] : memref<6272xi32, #tpu.memory_space<smem>>
      %get3A_183 = arith.index_cast %get3A_182 : i32 to index
      %get3A_184 = arith.constant 0 : index
      %get3A_185 = arith.constant 0 : index
      %get3A_186 = vector.load %arg2[%get3A_183, %get3A_184, %get3A_185] : memref<1000x16x128xf32, #tpu.memory_space<vmem>>, vector<1x16x128xf32>
      %get3A_187 = vector.shape_cast %get3A_186 : vector<1x16x128xf32> to vector<16x128xf32>
      %get3A_188 = arith.index_cast %add3A_178 : i32 to index
      %get3A_189 = arith.constant 0 : index
      %get3A_190 = arith.constant 0 : index
      %get3A_191 = vector.load %arg3[%get3A_188, %get3A_189, %get3A_190] : memref<784x16x128xf32, #tpu.memory_space<vmem>>, vector<1x16x128xf32>
      %get3A_192 = vector.shape_cast %get3A_191 : vector<1x16x128xf32> to vector<16x128xf32>
      %mul3A_193 = arith.mulf %get3A_187, %get3A_192 : vector<16x128xf32>
      %add3A_194 = arith.addf %add3A_174, %mul3A_193 : vector<16x128xf32>
      %mul3A_195 = arith.constant 8 : i32
      %mul3A_196 = arith.muli %scan3A_116, %mul3A_195 : i32
      %add3A_197 = arith.constant 4 : i32
      %add3A_198 = arith.addi %mul3A_196, %add3A_197 : i32
      %add3A_199 = arith.constant 784 : i32
      %add3A_200 = arith.addi %add3A_199, %add3A_198 : i32
      %get3A_201 = arith.index_cast %add3A_200 : i32 to index
      %get3A_202 = memref.load %arg1[%get3A_201] : memref<6272xi32, #tpu.memory_space<smem>>
      %get3A_203 = arith.index_cast %get3A_202 : i32 to index
      %get3A_204 = arith.constant 0 : index
      %get3A_205 = arith.constant 0 : index
      %get3A_206 = vector.load %arg2[%get3A_203, %get3A_204, %get3A_205] : memref<1000x16x128xf32, #tpu.memory_space<vmem>>, vector<1x16x128xf32>
      %get3A_207 = vector.shape_cast %get3A_206 : vector<1x16x128xf32> to vector<16x128xf32>
      %get3A_208 = arith.index_cast %add3A_198 : i32 to index
      %get3A_209 = arith.constant 0 : index
      %get3A_210 = arith.constant 0 : index
      %get3A_211 = vector.load %arg3[%get3A_208, %get3A_209, %get3A_210] : memref<784x16x128xf32, #tpu.memory_space<vmem>>, vector<1x16x128xf32>
      %get3A_212 = vector.shape_cast %get3A_211 : vector<1x16x128xf32> to vector<16x128xf32>
      %mul3A_213 = arith.mulf %get3A_207, %get3A_212 : vector<16x128xf32>
      %add3A_214 = arith.addf %add3A_194, %mul3A_213 : vector<16x128xf32>
      %mul3A_215 = arith.constant 8 : i32
      %mul3A_216 = arith.muli %scan3A_116, %mul3A_215 : i32
      %add3A_217 = arith.constant 5 : i32
      %add3A_218 = arith.addi %mul3A_216, %add3A_217 : i32
      %add3A_219 = arith.constant 784 : i32
      %add3A_220 = arith.addi %add3A_219, %add3A_218 : i32
      %get3A_221 = arith.index_cast %add3A_220 : i32 to index
      %get3A_222 = memref.load %arg1[%get3A_221] : memref<6272xi32, #tpu.memory_space<smem>>
      %get3A_223 = arith.index_cast %get3A_222 : i32 to index
      %get3A_224 = arith.constant 0 : index
      %get3A_225 = arith.constant 0 : index
      %get3A_226 = vector.load %arg2[%get3A_223, %get3A_224, %get3A_225] : memref<1000x16x128xf32, #tpu.memory_space<vmem>>, vector<1x16x128xf32>
      %get3A_227 = vector.shape_cast %get3A_226 : vector<1x16x128xf32> to vector<16x128xf32>
      %get3A_228 = arith.index_cast %add3A_218 : i32 to index
      %get3A_229 = arith.constant 0 : index
      %get3A_230 = arith.constant 0 : index
      %get3A_231 = vector.load %arg3[%get3A_228, %get3A_229, %get3A_230] : memref<784x16x128xf32, #tpu.memory_space<vmem>>, vector<1x16x128xf32>
      %get3A_232 = vector.shape_cast %get3A_231 : vector<1x16x128xf32> to vector<16x128xf32>
      %mul3A_233 = arith.mulf %get3A_227, %get3A_232 : vector<16x128xf32>
      %add3A_234 = arith.addf %add3A_214, %mul3A_233 : vector<16x128xf32>
      %mul3A_235 = arith.constant 8 : i32
      %mul3A_236 = arith.muli %scan3A_116, %mul3A_235 : i32
      %add3A_237 = arith.constant 6 : i32
      %add3A_238 = arith.addi %mul3A_236, %add3A_237 : i32
      %add3A_239 = arith.constant 784 : i32
      %add3A_240 = arith.addi %add3A_239, %add3A_238 : i32
      %get3A_241 = arith.index_cast %add3A_240 : i32 to index
      %get3A_242 = memref.load %arg1[%get3A_241] : memref<6272xi32, #tpu.memory_space<smem>>
      %get3A_243 = arith.index_cast %get3A_242 : i32 to index
      %get3A_244 = arith.constant 0 : index
      %get3A_245 = arith.constant 0 : index
      %get3A_246 = vector.load %arg2[%get3A_243, %get3A_244, %get3A_245] : memref<1000x16x128xf32, #tpu.memory_space<vmem>>, vector<1x16x128xf32>
      %get3A_247 = vector.shape_cast %get3A_246 : vector<1x16x128xf32> to vector<16x128xf32>
      %get3A_248 = arith.index_cast %add3A_238 : i32 to index
      %get3A_249 = arith.constant 0 : index
      %get3A_250 = arith.constant 0 : index
      %get3A_251 = vector.load %arg3[%get3A_248, %get3A_249, %get3A_250] : memref<784x16x128xf32, #tpu.memory_space<vmem>>, vector<1x16x128xf32>
      %get3A_252 = vector.shape_cast %get3A_251 : vector<1x16x128xf32> to vector<16x128xf32>
      %mul3A_253 = arith.mulf %get3A_247, %get3A_252 : vector<16x128xf32>
      %add3A_254 = arith.addf %add3A_234, %mul3A_253 : vector<16x128xf32>
      %mul3A_255 = arith.constant 8 : i32
      %mul3A_256 = arith.muli %scan3A_116, %mul3A_255 : i32
      %add3A_257 = arith.constant 7 : i32
      %add3A_258 = arith.addi %mul3A_256, %add3A_257 : i32
      %add3A_259 = arith.constant 784 : i32
      %add3A_260 = arith.addi %add3A_259, %add3A_258 : i32
      %get3A_261 = arith.index_cast %add3A_260 : i32 to index
      %get3A_262 = memref.load %arg1[%get3A_261] : memref<6272xi32, #tpu.memory_space<smem>>
      %get3A_263 = arith.index_cast %get3A_262 : i32 to index
      %get3A_264 = arith.constant 0 : index
      %get3A_265 = arith.constant 0 : index
      %get3A_266 = vector.load %arg2[%get3A_263, %get3A_264, %get3A_265] : memref<1000x16x128xf32, #tpu.memory_space<vmem>>, vector<1x16x128xf32>
      %get3A_267 = vector.shape_cast %get3A_266 : vector<1x16x128xf32> to vector<16x128xf32>
      %get3A_268 = arith.index_cast %add3A_258 : i32 to index
      %get3A_269 = arith.constant 0 : index
      %get3A_270 = arith.constant 0 : index
      %get3A_271 = vector.load %arg3[%get3A_268, %get3A_269, %get3A_270] : memref<784x16x128xf32, #tpu.memory_space<vmem>>, vector<1x16x128xf32>
      %get3A_272 = vector.shape_cast %get3A_271 : vector<1x16x128xf32> to vector<16x128xf32>
      %mul3A_273 = arith.mulf %get3A_267, %get3A_272 : vector<16x128xf32>
      %add3A_274 = arith.addf %add3A_254, %mul3A_273 : vector<16x128xf32>
      scf.yield %add3A_274 : vector<16x128xf32>
    }
    %scan3A_18 = arith.constant 98 : i32
    %tanh3A_19 = math.tanh %scan3A_17 : vector<16x128xf32>
    %swap3A_20 = arith.constant 1 : index
    %swap3A_21 = arith.constant 0 : index
    %swap3A_22 = arith.constant 0 : index
    %swap3A_23 = vector.load %arg4[%swap3A_20, %swap3A_21, %swap3A_22] : memref<8x16x128xf32, #tpu.memory_space<vmem>>, vector<1x16x128xf32>
    %swap3A_24 = vector.shape_cast %swap3A_23 : vector<1x16x128xf32> to vector<16x128xf32>
    %swap3A_25 = vector.shape_cast %tanh3A_19 : vector<16x128xf32> to vector<1x16x128xf32>
    tpu.vector_store %arg4[%swap3A_20, %swap3A_21, %swap3A_22], %swap3A_25 {strides = array<i32>} : memref<8x16x128xf32, #tpu.memory_space<vmem>>, vector<1x16x128xf32>,
    %broadcast_in_dim3A_26 = arith.constant 0.000000e+00 : f32
    %broadcast_in_dim3A_27 = vector.broadcast %broadcast_in_dim3A_26 : f32 to vector<16x128xf32>
    %scan3A_28 = arith.constant 0 : i32
    %scan3A_29 = arith.constant 98 : i32
    %scan3A_30 = arith.addi %scan3A_28, %scan3A_29 : i32
    %scan3A_31 = arith.constant 1 : i32
    %scan3A_32 = scf.for %scan3A_116 = %scan3A_28 to %scan3A_30 step %scan3A_31 iter_args(%scan3A_117 = %broadcast_in_dim3A_27) -> (vector<16x128xf32>)  : i32 {
      %mul3A = arith.constant 8 : i32
      %mul3A_118 = arith.muli %scan3A_116, %mul3A : i32
      %add3A = arith.constant 0 : i32
      %add3A_119 = arith.addi %mul3A_118, %add3A : i32
      %add3A_120 = arith.constant 1568 : i32
      %add3A_121 = arith.addi %add3A_120, %add3A_119 : i32
      %get3A = arith.index_cast %add3A_121 : i32 to index
      %get3A_122 = memref.load %arg1[%get3A] : memref<6272xi32, #tpu.memory_space<smem>>
      %get3A_123 = arith.index_cast %get3A_122 : i32 to index
      %get3A_124 = arith.constant 0 : index
      %get3A_125 = arith.constant 0 : index
      %get3A_126 = vector.load %arg2[%get3A_123, %get3A_124, %get3A_125] : memref<1000x16x128xf32, #tpu.memory_space<vmem>>, vector<1x16x128xf32>
      %get3A_127 = vector.shape_cast %get3A_126 : vector<1x16x128xf32> to vector<16x128xf32>
      %get3A_128 = arith.index_cast %add3A_119 : i32 to index
      %get3A_129 = arith.constant 0 : index
      %get3A_130 = arith.constant 0 : index
      %get3A_131 = vector.load %arg3[%get3A_128, %get3A_129, %get3A_130] : memref<784x16x128xf32, #tpu.memory_space<vmem>>, vector<1x16x128xf32>
      %get3A_132 = vector.shape_cast %get3A_131 : vector<1x16x128xf32> to vector<16x128xf32>
      %mul3A_133 = arith.mulf %get3A_127, %get3A_132 : vector<16x128xf32>
      %add3A_134 = arith.addf %scan3A_117, %mul3A_133 : vector<16x128xf32>
      %mul3A_135 = arith.constant 8 : i32
      %mul3A_136 = arith.muli %scan3A_116, %mul3A_135 : i32
      %add3A_137 = arith.constant 1 : i32
      %add3A_138 = arith.addi %mul3A_136, %add3A_137 : i32
      %add3A_139 = arith.constant 1568 : i32
      %add3A_140 = arith.addi %add3A_139, %add3A_138 : i32
      %get3A_141 = arith.index_cast %add3A_140 : i32 to index
      %get3A_142 = memref.load %arg1[%get3A_141] : memref<6272xi32, #tpu.memory_space<smem>>
      %get3A_143 = arith.index_cast %get3A_142 : i32 to index
      %get3A_144 = arith.constant 0 : index
      %get3A_145 = arith.constant 0 : index
      %get3A_146 = vector.load %arg2[%get3A_143, %get3A_144, %get3A_145] : memref<1000x16x128xf32, #tpu.memory_space<vmem>>, vector<1x16x128xf32>
      %get3A_147 = vector.shape_cast %get3A_146 : vector<1x16x128xf32> to vector<16x128xf32>
      %get3A_148 = arith.index_cast %add3A_138 : i32 to index
      %get3A_149 = arith.constant 0 : index
      %get3A_150 = arith.constant 0 : index
      %get3A_151 = vector.load %arg3[%get3A_148, %get3A_149, %get3A_150] : memref<784x16x128xf32, #tpu.memory_space<vmem>>, vector<1x16x128xf32>
      %get3A_152 = vector.shape_cast %get3A_151 : vector<1x16x128xf32> to vector<16x128xf32>
      %mul3A_153 = arith.mulf %get3A_147, %get3A_152 : vector<16x128xf32>
      %add3A_154 = arith.addf %add3A_134, %mul3A_153 : vector<16x128xf32>
      %mul3A_155 = arith.constant 8 : i32
      %mul3A_156 = arith.muli %scan3A_116, %mul3A_155 : i32
      %add3A_157 = arith.constant 2 : i32
      %add3A_158 = arith.addi %mul3A_156, %add3A_157 : i32
      %add3A_159 = arith.constant 1568 : i32
      %add3A_160 = arith.addi %add3A_159, %add3A_158 : i32
      %get3A_161 = arith.index_cast %add3A_160 : i32 to index
      %get3A_162 = memref.load %arg1[%get3A_161] : memref<6272xi32, #tpu.memory_space<smem>>
      %get3A_163 = arith.index_cast %get3A_162 : i32 to index
      %get3A_164 = arith.constant 0 : index
      %get3A_165 = arith.constant 0 : index
      %get3A_166 = vector.load %arg2[%get3A_163, %get3A_164, %get3A_165] : memref<1000x16x128xf32, #tpu.memory_space<vmem>>, vector<1x16x128xf32>
      %get3A_167 = vector.shape_cast %get3A_166 : vector<1x16x128xf32> to vector<16x128xf32>
      %get3A_168 = arith.index_cast %add3A_158 : i32 to index
      %get3A_169 = arith.constant 0 : index
      %get3A_170 = arith.constant 0 : index
      %get3A_171 = vector.load %arg3[%get3A_168, %get3A_169, %get3A_170] : memref<784x16x128xf32, #tpu.memory_space<vmem>>, vector<1x16x128xf32>
      %get3A_172 = vector.shape_cast %get3A_171 : vector<1x16x128xf32> to vector<16x128xf32>
      %mul3A_173 = arith.mulf %get3A_167, %get3A_172 : vector<16x128xf32>
      %add3A_174 = arith.addf %add3A_154, %mul3A_173 : vector<16x128xf32>
      %mul3A_175 = arith.constant 8 : i32
      %mul3A_176 = arith.muli %scan3A_116, %mul3A_175 : i32
      %add3A_177 = arith.constant 3 : i32
      %add3A_178 = arith.addi %mul3A_176, %add3A_177 : i32
      %add3A_179 = arith.constant 1568 : i32
      %add3A_180 = arith.addi %add3A_179, %add3A_178 : i32
      %get3A_181 = arith.index_cast %add3A_180 : i32 to index
      %get3A_182 = memref.load %arg1[%get3A_181] : memref<6272xi32, #tpu.memory_space<smem>>
      %get3A_183 = arith.index_cast %get3A_182 : i32 to index
      %get3A_184 = arith.constant 0 : index
      %get3A_185 = arith.constant 0 : index
      %get3A_186 = vector.load %arg2[%get3A_183, %get3A_184, %get3A_185] : memref<1000x16x128xf32, #tpu.memory_space<vmem>>, vector<1x16x128xf32>
      %get3A_187 = vector.shape_cast %get3A_186 : vector<1x16x128xf32> to vector<16x128xf32>
      %get3A_188 = arith.index_cast %add3A_178 : i32 to index
      %get3A_189 = arith.constant 0 : index
      %get3A_190 = arith.constant 0 : index
      %get3A_191 = vector.load %arg3[%get3A_188, %get3A_189, %get3A_190] : memref<784x16x128xf32, #tpu.memory_space<vmem>>, vector<1x16x128xf32>
      %get3A_192 = vector.shape_cast %get3A_191 : vector<1x16x128xf32> to vector<16x128xf32>
      %mul3A_193 = arith.mulf %get3A_187, %get3A_192 : vector<16x128xf32>
      %add3A_194 = arith.addf %add3A_174, %mul3A_193 : vector<16x128xf32>
      %mul3A_195 = arith.constant 8 : i32
      %mul3A_196 = arith.muli %scan3A_116, %mul3A_195 : i32
      %add3A_197 = arith.constant 4 : i32
      %add3A_198 = arith.addi %mul3A_196, %add3A_197 : i32
      %add3A_199 = arith.constant 1568 : i32
      %add3A_200 = arith.addi %add3A_199, %add3A_198 : i32
      %get3A_201 = arith.index_cast %add3A_200 : i32 to index
      %get3A_202 = memref.load %arg1[%get3A_201] : memref<6272xi32, #tpu.memory_space<smem>>
      %get3A_203 = arith.index_cast %get3A_202 : i32 to index
      %get3A_204 = arith.constant 0 : index
      %get3A_205 = arith.constant 0 : index
      %get3A_206 = vector.load %arg2[%get3A_203, %get3A_204, %get3A_205] : memref<1000x16x128xf32, #tpu.memory_space<vmem>>, vector<1x16x128xf32>
      %get3A_207 = vector.shape_cast %get3A_206 : vector<1x16x128xf32> to vector<16x128xf32>
      %get3A_208 = arith.index_cast %add3A_198 : i32 to index
      %get3A_209 = arith.constant 0 : index
      %get3A_210 = arith.constant 0 : index
      %get3A_211 = vector.load %arg3[%get3A_208, %get3A_209, %get3A_210] : memref<784x16x128xf32, #tpu.memory_space<vmem>>, vector<1x16x128xf32>
      %get3A_212 = vector.shape_cast %get3A_211 : vector<1x16x128xf32> to vector<16x128xf32>
      %mul3A_213 = arith.mulf %get3A_207, %get3A_212 : vector<16x128xf32>
      %add3A_214 = arith.addf %add3A_194, %mul3A_213 : vector<16x128xf32>
      %mul3A_215 = arith.constant 8 : i32
      %mul3A_216 = arith.muli %scan3A_116, %mul3A_215 : i32
      %add3A_217 = arith.constant 5 : i32
      %add3A_218 = arith.addi %mul3A_216, %add3A_217 : i32
      %add3A_219 = arith.constant 1568 : i32
      %add3A_220 = arith.addi %add3A_219, %add3A_218 : i32
      %get3A_221 = arith.index_cast %add3A_220 : i32 to index
      %get3A_222 = memref.load %arg1[%get3A_221] : memref<6272xi32, #tpu.memory_space<smem>>
      %get3A_223 = arith.index_cast %get3A_222 : i32 to index
      %get3A_224 = arith.constant 0 : index
      %get3A_225 = arith.constant 0 : index
      %get3A_226 = vector.load %arg2[%get3A_223, %get3A_224, %get3A_225] : memref<1000x16x128xf32, #tpu.memory_space<vmem>>, vector<1x16x128xf32>
      %get3A_227 = vector.shape_cast %get3A_226 : vector<1x16x128xf32> to vector<16x128xf32>
      %get3A_228 = arith.index_cast %add3A_218 : i32 to index
      %get3A_229 = arith.constant 0 : index
      %get3A_230 = arith.constant 0 : index
      %get3A_231 = vector.load %arg3[%get3A_228, %get3A_229, %get3A_230] : memref<784x16x128xf32, #tpu.memory_space<vmem>>, vector<1x16x128xf32>
      %get3A_232 = vector.shape_cast %get3A_231 : vector<1x16x128xf32> to vector<16x128xf32>
      %mul3A_233 = arith.mulf %get3A_227, %get3A_232 : vector<16x128xf32>
      %add3A_234 = arith.addf %add3A_214, %mul3A_233 : vector<16x128xf32>
      %mul3A_235 = arith.constant 8 : i32
      %mul3A_236 = arith.muli %scan3A_116, %mul3A_235 : i32
      %add3A_237 = arith.constant 6 : i32
      %add3A_238 = arith.addi %mul3A_236, %add3A_237 : i32
      %add3A_239 = arith.constant 1568 : i32
      %add3A_240 = arith.addi %add3A_239, %add3A_238 : i32
      %get3A_241 = arith.index_cast %add3A_240 : i32 to index
      %get3A_242 = memref.load %arg1[%get3A_241] : memref<6272xi32, #tpu.memory_space<smem>>
      %get3A_243 = arith.index_cast %get3A_242 : i32 to index
      %get3A_244 = arith.constant 0 : index
      %get3A_245 = arith.constant 0 : index
      %get3A_246 = vector.load %arg2[%get3A_243, %get3A_244, %get3A_245] : memref<1000x16x128xf32, #tpu.memory_space<vmem>>, vector<1x16x128xf32>
      %get3A_247 = vector.shape_cast %get3A_246 : vector<1x16x128xf32> to vector<16x128xf32>
      %get3A_248 = arith.index_cast %add3A_238 : i32 to index
      %get3A_249 = arith.constant 0 : index
      %get3A_250 = arith.constant 0 : index
      %get3A_251 = vector.load %arg3[%get3A_248, %get3A_249, %get3A_250] : memref<784x16x128xf32, #tpu.memory_space<vmem>>, vector<1x16x128xf32>
      %get3A_252 = vector.shape_cast %get3A_251 : vector<1x16x128xf32> to vector<16x128xf32>
      %mul3A_253 = arith.mulf %get3A_247, %get3A_252 : vector<16x128xf32>
      %add3A_254 = arith.addf %add3A_234, %mul3A_253 : vector<16x128xf32>
      %mul3A_255 = arith.constant 8 : i32
      %mul3A_256 = arith.muli %scan3A_116, %mul3A_255 : i32
      %add3A_257 = arith.constant 7 : i32
      %add3A_258 = arith.addi %mul3A_256, %add3A_257 : i32
      %add3A_259 = arith.constant 1568 : i32
      %add3A_260 = arith.addi %add3A_259, %add3A_258 : i32
      %get3A_261 = arith.index_cast %add3A_260 : i32 to index
      %get3A_262 = memref.load %arg1[%get3A_261] : memref<6272xi32, #tpu.memory_space<smem>>
      %get3A_263 = arith.index_cast %get3A_262 : i32 to index
      %get3A_264 = arith.constant 0 : index
      %get3A_265 = arith.constant 0 : index
      %get3A_266 = vector.load %arg2[%get3A_263, %get3A_264, %get3A_265] : memref<1000x16x128xf32, #tpu.memory_space<vmem>>, vector<1x16x128xf32>
      %get3A_267 = vector.shape_cast %get3A_266 : vector<1x16x128xf32> to vector<16x128xf32>
      %get3A_268 = arith.index_cast %add3A_258 : i32 to index
      %get3A_269 = arith.constant 0 : index
      %get3A_270 = arith.constant 0 : index
      %get3A_271 = vector.load %arg3[%get3A_268, %get3A_269, %get3A_270] : memref<784x16x128xf32, #tpu.memory_space<vmem>>, vector<1x16x128xf32>
      %get3A_272 = vector.shape_cast %get3A_271 : vector<1x16x128xf32> to vector<16x128xf32>
      %mul3A_273 = arith.mulf %get3A_267, %get3A_272 : vector<16x128xf32>
      %add3A_274 = arith.addf %add3A_254, %mul3A_273 : vector<16x128xf32>
      scf.yield %add3A_274 : vector<16x128xf32>
    }
    %scan3A_33 = arith.constant 98 : i32
    %tanh3A_34 = math.tanh %scan3A_32 : vector<16x128xf32>
    %swap3A_35 = arith.constant 2 : index
    %swap3A_36 = arith.constant 0 : index
    %swap3A_37 = arith.constant 0 : index
    %swap3A_38 = vector.load %arg4[%swap3A_35, %swap3A_36, %swap3A_37] : memref<8x16x128xf32, #tpu.memory_space<vmem>>, vector<1x16x128xf32>
    %swap3A_39 = vector.shape_cast %swap3A_38 : vector<1x16x128xf32> to vector<16x128xf32>
    %swap3A_40 = vector.shape_cast %tanh3A_34 : vector<16x128xf32> to vector<1x16x128xf32>
    tpu.vector_store %arg4[%swap3A_35, %swap3A_36, %swap3A_37], %swap3A_40 {strides = array<i32>} : memref<8x16x128xf32, #tpu.memory_space<vmem>>, vector<1x16x128xf32>,
    %broadcast_in_dim3A_41 = arith.constant 0.000000e+00 : f32
    %broadcast_in_dim3A_42 = vector.broadcast %broadcast_in_dim3A_41 : f32 to vector<16x128xf32>
    %scan3A_43 = arith.constant 0 : i32
    %scan3A_44 = arith.constant 98 : i32
    %scan3A_45 = arith.addi %scan3A_43, %scan3A_44 : i32
    %scan3A_46 = arith.constant 1 : i32
    %scan3A_47 = scf.for %scan3A_116 = %scan3A_43 to %scan3A_45 step %scan3A_46 iter_args(%scan3A_117 = %broadcast_in_dim3A_42) -> (vector<16x128xf32>)  : i32 {
      %mul3A = arith.constant 8 : i32
      %mul3A_118 = arith.muli %scan3A_116, %mul3A : i32
      %add3A = arith.constant 0 : i32
      %add3A_119 = arith.addi %mul3A_118, %add3A : i32
      %add3A_120 = arith.constant 2352 : i32
      %add3A_121 = arith.addi %add3A_120, %add3A_119 : i32
      %get3A = arith.index_cast %add3A_121 : i32 to index
      %get3A_122 = memref.load %arg1[%get3A] : memref<6272xi32, #tpu.memory_space<smem>>
      %get3A_123 = arith.index_cast %get3A_122 : i32 to index
      %get3A_124 = arith.constant 0 : index
      %get3A_125 = arith.constant 0 : index
      %get3A_126 = vector.load %arg2[%get3A_123, %get3A_124, %get3A_125] : memref<1000x16x128xf32, #tpu.memory_space<vmem>>, vector<1x16x128xf32>
      %get3A_127 = vector.shape_cast %get3A_126 : vector<1x16x128xf32> to vector<16x128xf32>
      %get3A_128 = arith.index_cast %add3A_119 : i32 to index
      %get3A_129 = arith.constant 0 : index
      %get3A_130 = arith.constant 0 : index
      %get3A_131 = vector.load %arg3[%get3A_128, %get3A_129, %get3A_130] : memref<784x16x128xf32, #tpu.memory_space<vmem>>, vector<1x16x128xf32>
      %get3A_132 = vector.shape_cast %get3A_131 : vector<1x16x128xf32> to vector<16x128xf32>
      %mul3A_133 = arith.mulf %get3A_127, %get3A_132 : vector<16x128xf32>
      %add3A_134 = arith.addf %scan3A_117, %mul3A_133 : vector<16x128xf32>
      %mul3A_135 = arith.constant 8 : i32
      %mul3A_136 = arith.muli %scan3A_116, %mul3A_135 : i32
      %add3A_137 = arith.constant 1 : i32
      %add3A_138 = arith.addi %mul3A_136, %add3A_137 : i32
      %add3A_139 = arith.constant 2352 : i32
      %add3A_140 = arith.addi %add3A_139, %add3A_138 : i32
      %get3A_141 = arith.index_cast %add3A_140 : i32 to index
      %get3A_142 = memref.load %arg1[%get3A_141] : memref<6272xi32, #tpu.memory_space<smem>>
      %get3A_143 = arith.index_cast %get3A_142 : i32 to index
      %get3A_144 = arith.constant 0 : index
      %get3A_145 = arith.constant 0 : index
      %get3A_146 = vector.load %arg2[%get3A_143, %get3A_144, %get3A_145] : memref<1000x16x128xf32, #tpu.memory_space<vmem>>, vector<1x16x128xf32>
      %get3A_147 = vector.shape_cast %get3A_146 : vector<1x16x128xf32> to vector<16x128xf32>
      %get3A_148 = arith.index_cast %add3A_138 : i32 to index
      %get3A_149 = arith.constant 0 : index
      %get3A_150 = arith.constant 0 : index
      %get3A_151 = vector.load %arg3[%get3A_148, %get3A_149, %get3A_150] : memref<784x16x128xf32, #tpu.memory_space<vmem>>, vector<1x16x128xf32>
      %get3A_152 = vector.shape_cast %get3A_151 : vector<1x16x128xf32> to vector<16x128xf32>
      %mul3A_153 = arith.mulf %get3A_147, %get3A_152 : vector<16x128xf32>
      %add3A_154 = arith.addf %add3A_134, %mul3A_153 : vector<16x128xf32>
      %mul3A_155 = arith.constant 8 : i32
      %mul3A_156 = arith.muli %scan3A_116, %mul3A_155 : i32
      %add3A_157 = arith.constant 2 : i32
      %add3A_158 = arith.addi %mul3A_156, %add3A_157 : i32
      %add3A_159 = arith.constant 2352 : i32
      %add3A_160 = arith.addi %add3A_159, %add3A_158 : i32
      %get3A_161 = arith.index_cast %add3A_160 : i32 to index
      %get3A_162 = memref.load %arg1[%get3A_161] : memref<6272xi32, #tpu.memory_space<smem>>
      %get3A_163 = arith.index_cast %get3A_162 : i32 to index
      %get3A_164 = arith.constant 0 : index
      %get3A_165 = arith.constant 0 : index
      %get3A_166 = vector.load %arg2[%get3A_163, %get3A_164, %get3A_165] : memref<1000x16x128xf32, #tpu.memory_space<vmem>>, vector<1x16x128xf32>
      %get3A_167 = vector.shape_cast %get3A_166 : vector<1x16x128xf32> to vector<16x128xf32>
      %get3A_168 = arith.index_cast %add3A_158 : i32 to index
      %get3A_169 = arith.constant 0 : index
      %get3A_170 = arith.constant 0 : index
      %get3A_171 = vector.load %arg3[%get3A_168, %get3A_169, %get3A_170] : memref<784x16x128xf32, #tpu.memory_space<vmem>>, vector<1x16x128xf32>
      %get3A_172 = vector.shape_cast %get3A_171 : vector<1x16x128xf32> to vector<16x128xf32>
      %mul3A_173 = arith.mulf %get3A_167, %get3A_172 : vector<16x128xf32>
      %add3A_174 = arith.addf %add3A_154, %mul3A_173 : vector<16x128xf32>
      %mul3A_175 = arith.constant 8 : i32
      %mul3A_176 = arith.muli %scan3A_116, %mul3A_175 : i32
      %add3A_177 = arith.constant 3 : i32
      %add3A_178 = arith.addi %mul3A_176, %add3A_177 : i32
      %add3A_179 = arith.constant 2352 : i32
      %add3A_180 = arith.addi %add3A_179, %add3A_178 : i32
      %get3A_181 = arith.index_cast %add3A_180 : i32 to index
      %get3A_182 = memref.load %arg1[%get3A_181] : memref<6272xi32, #tpu.memory_space<smem>>
      %get3A_183 = arith.index_cast %get3A_182 : i32 to index
      %get3A_184 = arith.constant 0 : index
      %get3A_185 = arith.constant 0 : index
      %get3A_186 = vector.load %arg2[%get3A_183, %get3A_184, %get3A_185] : memref<1000x16x128xf32, #tpu.memory_space<vmem>>, vector<1x16x128xf32>
      %get3A_187 = vector.shape_cast %get3A_186 : vector<1x16x128xf32> to vector<16x128xf32>
      %get3A_188 = arith.index_cast %add3A_178 : i32 to index
      %get3A_189 = arith.constant 0 : index
      %get3A_190 = arith.constant 0 : index
      %get3A_191 = vector.load %arg3[%get3A_188, %get3A_189, %get3A_190] : memref<784x16x128xf32, #tpu.memory_space<vmem>>, vector<1x16x128xf32>
      %get3A_192 = vector.shape_cast %get3A_191 : vector<1x16x128xf32> to vector<16x128xf32>
      %mul3A_193 = arith.mulf %get3A_187, %get3A_192 : vector<16x128xf32>
      %add3A_194 = arith.addf %add3A_174, %mul3A_193 : vector<16x128xf32>
      %mul3A_195 = arith.constant 8 : i32
      %mul3A_196 = arith.muli %scan3A_116, %mul3A_195 : i32
      %add3A_197 = arith.constant 4 : i32
      %add3A_198 = arith.addi %mul3A_196, %add3A_197 : i32
      %add3A_199 = arith.constant 2352 : i32
      %add3A_200 = arith.addi %add3A_199, %add3A_198 : i32
      %get3A_201 = arith.index_cast %add3A_200 : i32 to index
      %get3A_202 = memref.load %arg1[%get3A_201] : memref<6272xi32, #tpu.memory_space<smem>>
      %get3A_203 = arith.index_cast %get3A_202 : i32 to index
      %get3A_204 = arith.constant 0 : index
      %get3A_205 = arith.constant 0 : index
      %get3A_206 = vector.load %arg2[%get3A_203, %get3A_204, %get3A_205] : memref<1000x16x128xf32, #tpu.memory_space<vmem>>, vector<1x16x128xf32>
      %get3A_207 = vector.shape_cast %get3A_206 : vector<1x16x128xf32> to vector<16x128xf32>
      %get3A_208 = arith.index_cast %add3A_198 : i32 to index
      %get3A_209 = arith.constant 0 : index
      %get3A_210 = arith.constant 0 : index
      %get3A_211 = vector.load %arg3[%get3A_208, %get3A_209, %get3A_210] : memref<784x16x128xf32, #tpu.memory_space<vmem>>, vector<1x16x128xf32>
      %get3A_212 = vector.shape_cast %get3A_211 : vector<1x16x128xf32> to vector<16x128xf32>
      %mul3A_213 = arith.mulf %get3A_207, %get3A_212 : vector<16x128xf32>
      %add3A_214 = arith.addf %add3A_194, %mul3A_213 : vector<16x128xf32>
      %mul3A_215 = arith.constant 8 : i32
      %mul3A_216 = arith.muli %scan3A_116, %mul3A_215 : i32
      %add3A_217 = arith.constant 5 : i32
      %add3A_218 = arith.addi %mul3A_216, %add3A_217 : i32
      %add3A_219 = arith.constant 2352 : i32
      %add3A_220 = arith.addi %add3A_219, %add3A_218 : i32
      %get3A_221 = arith.index_cast %add3A_220 : i32 to index
      %get3A_222 = memref.load %arg1[%get3A_221] : memref<6272xi32, #tpu.memory_space<smem>>
      %get3A_223 = arith.index_cast %get3A_222 : i32 to index
      %get3A_224 = arith.constant 0 : index
      %get3A_225 = arith.constant 0 : index
      %get3A_226 = vector.load %arg2[%get3A_223, %get3A_224, %get3A_225] : memref<1000x16x128xf32, #tpu.memory_space<vmem>>, vector<1x16x128xf32>
      %get3A_227 = vector.shape_cast %get3A_226 : vector<1x16x128xf32> to vector<16x128xf32>
      %get3A_228 = arith.index_cast %add3A_218 : i32 to index
      %get3A_229 = arith.constant 0 : index
      %get3A_230 = arith.constant 0 : index
      %get3A_231 = vector.load %arg3[%get3A_228, %get3A_229, %get3A_230] : memref<784x16x128xf32, #tpu.memory_space<vmem>>, vector<1x16x128xf32>
      %get3A_232 = vector.shape_cast %get3A_231 : vector<1x16x128xf32> to vector<16x128xf32>
      %mul3A_233 = arith.mulf %get3A_227, %get3A_232 : vector<16x128xf32>
      %add3A_234 = arith.addf %add3A_214, %mul3A_233 : vector<16x128xf32>
      %mul3A_235 = arith.constant 8 : i32
      %mul3A_236 = arith.muli %scan3A_116, %mul3A_235 : i32
      %add3A_237 = arith.constant 6 : i32
      %add3A_238 = arith.addi %mul3A_236, %add3A_237 : i32
      %add3A_239 = arith.constant 2352 : i32
      %add3A_240 = arith.addi %add3A_239, %add3A_238 : i32
      %get3A_241 = arith.index_cast %add3A_240 : i32 to index
      %get3A_242 = memref.load %arg1[%get3A_241] : memref<6272xi32, #tpu.memory_space<smem>>
      %get3A_243 = arith.index_cast %get3A_242 : i32 to index
      %get3A_244 = arith.constant 0 : index
      %get3A_245 = arith.constant 0 : index
      %get3A_246 = vector.load %arg2[%get3A_243, %get3A_244, %get3A_245] : memref<1000x16x128xf32, #tpu.memory_space<vmem>>, vector<1x16x128xf32>
      %get3A_247 = vector.shape_cast %get3A_246 : vector<1x16x128xf32> to vector<16x128xf32>
      %get3A_248 = arith.index_cast %add3A_238 : i32 to index
      %get3A_249 = arith.constant 0 : index
      %get3A_250 = arith.constant 0 : index
      %get3A_251 = vector.load %arg3[%get3A_248, %get3A_249, %get3A_250] : memref<784x16x128xf32, #tpu.memory_space<vmem>>, vector<1x16x128xf32>
      %get3A_252 = vector.shape_cast %get3A_251 : vector<1x16x128xf32> to vector<16x128xf32>
      %mul3A_253 = arith.mulf %get3A_247, %get3A_252 : vector<16x128xf32>
      %add3A_254 = arith.addf %add3A_234, %mul3A_253 : vector<16x128xf32>
      %mul3A_255 = arith.constant 8 : i32
      %mul3A_256 = arith.muli %scan3A_116, %mul3A_255 : i32
      %add3A_257 = arith.constant 7 : i32
      %add3A_258 = arith.addi %mul3A_256, %add3A_257 : i32
      %add3A_259 = arith.constant 2352 : i32
      %add3A_260 = arith.addi %add3A_259, %add3A_258 : i32
      %get3A_261 = arith.index_cast %add3A_260 : i32 to index
      %get3A_262 = memref.load %arg1[%get3A_261] : memref<6272xi32, #tpu.memory_space<smem>>
      %get3A_263 = arith.index_cast %get3A_262 : i32 to index
      %get3A_264 = arith.constant 0 : index
      %get3A_265 = arith.constant 0 : index
      %get3A_266 = vector.load %arg2[%get3A_263, %get3A_264, %get3A_265] : memref<1000x16x128xf32, #tpu.memory_space<vmem>>, vector<1x16x128xf32>
      %get3A_267 = vector.shape_cast %get3A_266 : vector<1x16x128xf32> to vector<16x128xf32>
      %get3A_268 = arith.index_cast %add3A_258 : i32 to index
      %get3A_269 = arith.constant 0 : index
      %get3A_270 = arith.constant 0 : index
      %get3A_271 = vector.load %arg3[%get3A_268, %get3A_269, %get3A_270] : memref<784x16x128xf32, #tpu.memory_space<vmem>>, vector<1x16x128xf32>
      %get3A_272 = vector.shape_cast %get3A_271 : vector<1x16x128xf32> to vector<16x128xf32>
      %mul3A_273 = arith.mulf %get3A_267, %get3A_272 : vector<16x128xf32>
      %add3A_274 = arith.addf %add3A_254, %mul3A_273 : vector<16x128xf32>
      scf.yield %add3A_274 : vector<16x128xf32>
    }
    %scan3A_48 = arith.constant 98 : i32
    %tanh3A_49 = math.tanh %scan3A_47 : vector<16x128xf32>
    %swap3A_50 = arith.constant 3 : index
    %swap3A_51 = arith.constant 0 : index
    %swap3A_52 = arith.constant 0 : index
    %swap3A_53 = vector.load %arg4[%swap3A_50, %swap3A_51, %swap3A_52] : memref<8x16x128xf32, #tpu.memory_space<vmem>>, vector<1x16x128xf32>
    %swap3A_54 = vector.shape_cast %swap3A_53 : vector<1x16x128xf32> to vector<16x128xf32>
    %swap3A_55 = vector.shape_cast %tanh3A_49 : vector<16x128xf32> to vector<1x16x128xf32>
    tpu.vector_store %arg4[%swap3A_50, %swap3A_51, %swap3A_52], %swap3A_55 {strides = array<i32>} : memref<8x16x128xf32, #tpu.memory_space<vmem>>, vector<1x16x128xf32>,
    %broadcast_in_dim3A_56 = arith.constant 0.000000e+00 : f32
    %broadcast_in_dim3A_57 = vector.broadcast %broadcast_in_dim3A_56 : f32 to vector<16x128xf32>
    %scan3A_58 = arith.constant 0 : i32
    %scan3A_59 = arith.constant 98 : i32
    %scan3A_60 = arith.addi %scan3A_58, %scan3A_59 : i32
    %scan3A_61 = arith.constant 1 : i32
    %scan3A_62 = scf.for %scan3A_116 = %scan3A_58 to %scan3A_60 step %scan3A_61 iter_args(%scan3A_117 = %broadcast_in_dim3A_57) -> (vector<16x128xf32>)  : i32 {
      %mul3A = arith.constant 8 : i32
      %mul3A_118 = arith.muli %scan3A_116, %mul3A : i32
      %add3A = arith.constant 0 : i32
      %add3A_119 = arith.addi %mul3A_118, %add3A : i32
      %add3A_120 = arith.constant 3136 : i32
      %add3A_121 = arith.addi %add3A_120, %add3A_119 : i32
      %get3A = arith.index_cast %add3A_121 : i32 to index
      %get3A_122 = memref.load %arg1[%get3A] : memref<6272xi32, #tpu.memory_space<smem>>
      %get3A_123 = arith.index_cast %get3A_122 : i32 to index
      %get3A_124 = arith.constant 0 : index
      %get3A_125 = arith.constant 0 : index
      %get3A_126 = vector.load %arg2[%get3A_123, %get3A_124, %get3A_125] : memref<1000x16x128xf32, #tpu.memory_space<vmem>>, vector<1x16x128xf32>
      %get3A_127 = vector.shape_cast %get3A_126 : vector<1x16x128xf32> to vector<16x128xf32>
      %get3A_128 = arith.index_cast %add3A_119 : i32 to index
      %get3A_129 = arith.constant 0 : index
      %get3A_130 = arith.constant 0 : index
      %get3A_131 = vector.load %arg3[%get3A_128, %get3A_129, %get3A_130] : memref<784x16x128xf32, #tpu.memory_space<vmem>>, vector<1x16x128xf32>
      %get3A_132 = vector.shape_cast %get3A_131 : vector<1x16x128xf32> to vector<16x128xf32>
      %mul3A_133 = arith.mulf %get3A_127, %get3A_132 : vector<16x128xf32>
      %add3A_134 = arith.addf %scan3A_117, %mul3A_133 : vector<16x128xf32>
      %mul3A_135 = arith.constant 8 : i32
      %mul3A_136 = arith.muli %scan3A_116, %mul3A_135 : i32
      %add3A_137 = arith.constant 1 : i32
      %add3A_138 = arith.addi %mul3A_136, %add3A_137 : i32
      %add3A_139 = arith.constant 3136 : i32
      %add3A_140 = arith.addi %add3A_139, %add3A_138 : i32
      %get3A_141 = arith.index_cast %add3A_140 : i32 to index
      %get3A_142 = memref.load %arg1[%get3A_141] : memref<6272xi32, #tpu.memory_space<smem>>
      %get3A_143 = arith.index_cast %get3A_142 : i32 to index
      %get3A_144 = arith.constant 0 : index
      %get3A_145 = arith.constant 0 : index
      %get3A_146 = vector.load %arg2[%get3A_143, %get3A_144, %get3A_145] : memref<1000x16x128xf32, #tpu.memory_space<vmem>>, vector<1x16x128xf32>
      %get3A_147 = vector.shape_cast %get3A_146 : vector<1x16x128xf32> to vector<16x128xf32>
      %get3A_148 = arith.index_cast %add3A_138 : i32 to index
      %get3A_149 = arith.constant 0 : index
      %get3A_150 = arith.constant 0 : index
      %get3A_151 = vector.load %arg3[%get3A_148, %get3A_149, %get3A_150] : memref<784x16x128xf32, #tpu.memory_space<vmem>>, vector<1x16x128xf32>
      %get3A_152 = vector.shape_cast %get3A_151 : vector<1x16x128xf32> to vector<16x128xf32>
      %mul3A_153 = arith.mulf %get3A_147, %get3A_152 : vector<16x128xf32>
      %add3A_154 = arith.addf %add3A_134, %mul3A_153 : vector<16x128xf32>
      %mul3A_155 = arith.constant 8 : i32
      %mul3A_156 = arith.muli %scan3A_116, %mul3A_155 : i32
      %add3A_157 = arith.constant 2 : i32
      %add3A_158 = arith.addi %mul3A_156, %add3A_157 : i32
      %add3A_159 = arith.constant 3136 : i32
      %add3A_160 = arith.addi %add3A_159, %add3A_158 : i32
      %get3A_161 = arith.index_cast %add3A_160 : i32 to index
      %get3A_162 = memref.load %arg1[%get3A_161] : memref<6272xi32, #tpu.memory_space<smem>>
      %get3A_163 = arith.index_cast %get3A_162 : i32 to index
      %get3A_164 = arith.constant 0 : index
      %get3A_165 = arith.constant 0 : index
      %get3A_166 = vector.load %arg2[%get3A_163, %get3A_164, %get3A_165] : memref<1000x16x128xf32, #tpu.memory_space<vmem>>, vector<1x16x128xf32>
      %get3A_167 = vector.shape_cast %get3A_166 : vector<1x16x128xf32> to vector<16x128xf32>
      %get3A_168 = arith.index_cast %add3A_158 : i32 to index
      %get3A_169 = arith.constant 0 : index
      %get3A_170 = arith.constant 0 : index
      %get3A_171 = vector.load %arg3[%get3A_168, %get3A_169, %get3A_170] : memref<784x16x128xf32, #tpu.memory_space<vmem>>, vector<1x16x128xf32>
      %get3A_172 = vector.shape_cast %get3A_171 : vector<1x16x128xf32> to vector<16x128xf32>
      %mul3A_173 = arith.mulf %get3A_167, %get3A_172 : vector<16x128xf32>
      %add3A_174 = arith.addf %add3A_154, %mul3A_173 : vector<16x128xf32>
      %mul3A_175 = arith.constant 8 : i32
      %mul3A_176 = arith.muli %scan3A_116, %mul3A_175 : i32
      %add3A_177 = arith.constant 3 : i32
      %add3A_178 = arith.addi %mul3A_176, %add3A_177 : i32
      %add3A_179 = arith.constant 3136 : i32
      %add3A_180 = arith.addi %add3A_179, %add3A_178 : i32
      %get3A_181 = arith.index_cast %add3A_180 : i32 to index
      %get3A_182 = memref.load %arg1[%get3A_181] : memref<6272xi32, #tpu.memory_space<smem>>
      %get3A_183 = arith.index_cast %get3A_182 : i32 to index
      %get3A_184 = arith.constant 0 : index
      %get3A_185 = arith.constant 0 : index
      %get3A_186 = vector.load %arg2[%get3A_183, %get3A_184, %get3A_185] : memref<1000x16x128xf32, #tpu.memory_space<vmem>>, vector<1x16x128xf32>
      %get3A_187 = vector.shape_cast %get3A_186 : vector<1x16x128xf32> to vector<16x128xf32>
      %get3A_188 = arith.index_cast %add3A_178 : i32 to index
      %get3A_189 = arith.constant 0 : index
      %get3A_190 = arith.constant 0 : index
      %get3A_191 = vector.load %arg3[%get3A_188, %get3A_189, %get3A_190] : memref<784x16x128xf32, #tpu.memory_space<vmem>>, vector<1x16x128xf32>
      %get3A_192 = vector.shape_cast %get3A_191 : vector<1x16x128xf32> to vector<16x128xf32>
      %mul3A_193 = arith.mulf %get3A_187, %get3A_192 : vector<16x128xf32>
      %add3A_194 = arith.addf %add3A_174, %mul3A_193 : vector<16x128xf32>
      %mul3A_195 = arith.constant 8 : i32
      %mul3A_196 = arith.muli %scan3A_116, %mul3A_195 : i32
      %add3A_197 = arith.constant 4 : i32
      %add3A_198 = arith.addi %mul3A_196, %add3A_197 : i32
      %add3A_199 = arith.constant 3136 : i32
      %add3A_200 = arith.addi %add3A_199, %add3A_198 : i32
      %get3A_201 = arith.index_cast %add3A_200 : i32 to index
      %get3A_202 = memref.load %arg1[%get3A_201] : memref<6272xi32, #tpu.memory_space<smem>>
      %get3A_203 = arith.index_cast %get3A_202 : i32 to index
      %get3A_204 = arith.constant 0 : index
      %get3A_205 = arith.constant 0 : index
      %get3A_206 = vector.load %arg2[%get3A_203, %get3A_204, %get3A_205] : memref<1000x16x128xf32, #tpu.memory_space<vmem>>, vector<1x16x128xf32>
      %get3A_207 = vector.shape_cast %get3A_206 : vector<1x16x128xf32> to vector<16x128xf32>
      %get3A_208 = arith.index_cast %add3A_198 : i32 to index
      %get3A_209 = arith.constant 0 : index
      %get3A_210 = arith.constant 0 : index
      %get3A_211 = vector.load %arg3[%get3A_208, %get3A_209, %get3A_210] : memref<784x16x128xf32, #tpu.memory_space<vmem>>, vector<1x16x128xf32>
      %get3A_212 = vector.shape_cast %get3A_211 : vector<1x16x128xf32> to vector<16x128xf32>
      %mul3A_213 = arith.mulf %get3A_207, %get3A_212 : vector<16x128xf32>
      %add3A_214 = arith.addf %add3A_194, %mul3A_213 : vector<16x128xf32>
      %mul3A_215 = arith.constant 8 : i32
      %mul3A_216 = arith.muli %scan3A_116, %mul3A_215 : i32
      %add3A_217 = arith.constant 5 : i32
      %add3A_218 = arith.addi %mul3A_216, %add3A_217 : i32
      %add3A_219 = arith.constant 3136 : i32
      %add3A_220 = arith.addi %add3A_219, %add3A_218 : i32
      %get3A_221 = arith.index_cast %add3A_220 : i32 to index
      %get3A_222 = memref.load %arg1[%get3A_221] : memref<6272xi32, #tpu.memory_space<smem>>
      %get3A_223 = arith.index_cast %get3A_222 : i32 to index
      %get3A_224 = arith.constant 0 : index
      %get3A_225 = arith.constant 0 : index
      %get3A_226 = vector.load %arg2[%get3A_223, %get3A_224, %get3A_225] : memref<1000x16x128xf32, #tpu.memory_space<vmem>>, vector<1x16x128xf32>
      %get3A_227 = vector.shape_cast %get3A_226 : vector<1x16x128xf32> to vector<16x128xf32>
      %get3A_228 = arith.index_cast %add3A_218 : i32 to index
      %get3A_229 = arith.constant 0 : index
      %get3A_230 = arith.constant 0 : index
      %get3A_231 = vector.load %arg3[%get3A_228, %get3A_229, %get3A_230] : memref<784x16x128xf32, #tpu.memory_space<vmem>>, vector<1x16x128xf32>
      %get3A_232 = vector.shape_cast %get3A_231 : vector<1x16x128xf32> to vector<16x128xf32>
      %mul3A_233 = arith.mulf %get3A_227, %get3A_232 : vector<16x128xf32>
      %add3A_234 = arith.addf %add3A_214, %mul3A_233 : vector<16x128xf32>
      %mul3A_235 = arith.constant 8 : i32
      %mul3A_236 = arith.muli %scan3A_116, %mul3A_235 : i32
      %add3A_237 = arith.constant 6 : i32
      %add3A_238 = arith.addi %mul3A_236, %add3A_237 : i32
      %add3A_239 = arith.constant 3136 : i32
      %add3A_240 = arith.addi %add3A_239, %add3A_238 : i32
      %get3A_241 = arith.index_cast %add3A_240 : i32 to index
      %get3A_242 = memref.load %arg1[%get3A_241] : memref<6272xi32, #tpu.memory_space<smem>>
      %get3A_243 = arith.index_cast %get3A_242 : i32 to index
      %get3A_244 = arith.constant 0 : index
      %get3A_245 = arith.constant 0 : index
      %get3A_246 = vector.load %arg2[%get3A_243, %get3A_244, %get3A_245] : memref<1000x16x128xf32, #tpu.memory_space<vmem>>, vector<1x16x128xf32>
      %get3A_247 = vector.shape_cast %get3A_246 : vector<1x16x128xf32> to vector<16x128xf32>
      %get3A_248 = arith.index_cast %add3A_238 : i32 to index
      %get3A_249 = arith.constant 0 : index
      %get3A_250 = arith.constant 0 : index
      %get3A_251 = vector.load %arg3[%get3A_248, %get3A_249, %get3A_250] : memref<784x16x128xf32, #tpu.memory_space<vmem>>, vector<1x16x128xf32>
      %get3A_252 = vector.shape_cast %get3A_251 : vector<1x16x128xf32> to vector<16x128xf32>
      %mul3A_253 = arith.mulf %get3A_247, %get3A_252 : vector<16x128xf32>
      %add3A_254 = arith.addf %add3A_234, %mul3A_253 : vector<16x128xf32>
      %mul3A_255 = arith.constant 8 : i32
      %mul3A_256 = arith.muli %scan3A_116, %mul3A_255 : i32
      %add3A_257 = arith.constant 7 : i32
      %add3A_258 = arith.addi %mul3A_256, %add3A_257 : i32
      %add3A_259 = arith.constant 3136 : i32
      %add3A_260 = arith.addi %add3A_259, %add3A_258 : i32
      %get3A_261 = arith.index_cast %add3A_260 : i32 to index
      %get3A_262 = memref.load %arg1[%get3A_261] : memref<6272xi32, #tpu.memory_space<smem>>
      %get3A_263 = arith.index_cast %get3A_262 : i32 to index
      %get3A_264 = arith.constant 0 : index
      %get3A_265 = arith.constant 0 : index
      %get3A_266 = vector.load %arg2[%get3A_263, %get3A_264, %get3A_265] : memref<1000x16x128xf32, #tpu.memory_space<vmem>>, vector<1x16x128xf32>
      %get3A_267 = vector.shape_cast %get3A_266 : vector<1x16x128xf32> to vector<16x128xf32>
      %get3A_268 = arith.index_cast %add3A_258 : i32 to index
      %get3A_269 = arith.constant 0 : index
      %get3A_270 = arith.constant 0 : index
      %get3A_271 = vector.load %arg3[%get3A_268, %get3A_269, %get3A_270] : memref<784x16x128xf32, #tpu.memory_space<vmem>>, vector<1x16x128xf32>
      %get3A_272 = vector.shape_cast %get3A_271 : vector<1x16x128xf32> to vector<16x128xf32>
      %mul3A_273 = arith.mulf %get3A_267, %get3A_272 : vector<16x128xf32>
      %add3A_274 = arith.addf %add3A_254, %mul3A_273 : vector<16x128xf32>
      scf.yield %add3A_274 : vector<16x128xf32>
    }
    %scan3A_63 = arith.constant 98 : i32
    %tanh3A_64 = math.tanh %scan3A_62 : vector<16x128xf32>
    %swap3A_65 = arith.constant 4 : index
    %swap3A_66 = arith.constant 0 : index
    %swap3A_67 = arith.constant 0 : index
    %swap3A_68 = vector.load %arg4[%swap3A_65, %swap3A_66, %swap3A_67] : memref<8x16x128xf32, #tpu.memory_space<vmem>>, vector<1x16x128xf32>
    %swap3A_69 = vector.shape_cast %swap3A_68 : vector<1x16x128xf32> to vector<16x128xf32>
    %swap3A_70 = vector.shape_cast %tanh3A_64 : vector<16x128xf32> to vector<1x16x128xf32>
    tpu.vector_store %arg4[%swap3A_65, %swap3A_66, %swap3A_67], %swap3A_70 {strides = array<i32>} : memref<8x16x128xf32, #tpu.memory_space<vmem>>, vector<1x16x128xf32>,
    %broadcast_in_dim3A_71 = arith.constant 0.000000e+00 : f32
    %broadcast_in_dim3A_72 = vector.broadcast %broadcast_in_dim3A_71 : f32 to vector<16x128xf32>
    %scan3A_73 = arith.constant 0 : i32
    %scan3A_74 = arith.constant 98 : i32
    %scan3A_75 = arith.addi %scan3A_73, %scan3A_74 : i32
    %scan3A_76 = arith.constant 1 : i32
    %scan3A_77 = scf.for %scan3A_116 = %scan3A_73 to %scan3A_75 step %scan3A_76 iter_args(%scan3A_117 = %broadcast_in_dim3A_72) -> (vector<16x128xf32>)  : i32 {
      %mul3A = arith.constant 8 : i32
      %mul3A_118 = arith.muli %scan3A_116, %mul3A : i32
      %add3A = arith.constant 0 : i32
      %add3A_119 = arith.addi %mul3A_118, %add3A : i32
      %add3A_120 = arith.constant 3920 : i32
      %add3A_121 = arith.addi %add3A_120, %add3A_119 : i32
      %get3A = arith.index_cast %add3A_121 : i32 to index
      %get3A_122 = memref.load %arg1[%get3A] : memref<6272xi32, #tpu.memory_space<smem>>
      %get3A_123 = arith.index_cast %get3A_122 : i32 to index
      %get3A_124 = arith.constant 0 : index
      %get3A_125 = arith.constant 0 : index
      %get3A_126 = vector.load %arg2[%get3A_123, %get3A_124, %get3A_125] : memref<1000x16x128xf32, #tpu.memory_space<vmem>>, vector<1x16x128xf32>
      %get3A_127 = vector.shape_cast %get3A_126 : vector<1x16x128xf32> to vector<16x128xf32>
      %get3A_128 = arith.index_cast %add3A_119 : i32 to index
      %get3A_129 = arith.constant 0 : index
      %get3A_130 = arith.constant 0 : index
      %get3A_131 = vector.load %arg3[%get3A_128, %get3A_129, %get3A_130] : memref<784x16x128xf32, #tpu.memory_space<vmem>>, vector<1x16x128xf32>
      %get3A_132 = vector.shape_cast %get3A_131 : vector<1x16x128xf32> to vector<16x128xf32>
      %mul3A_133 = arith.mulf %get3A_127, %get3A_132 : vector<16x128xf32>
      %add3A_134 = arith.addf %scan3A_117, %mul3A_133 : vector<16x128xf32>
      %mul3A_135 = arith.constant 8 : i32
      %mul3A_136 = arith.muli %scan3A_116, %mul3A_135 : i32
      %add3A_137 = arith.constant 1 : i32
      %add3A_138 = arith.addi %mul3A_136, %add3A_137 : i32
      %add3A_139 = arith.constant 3920 : i32
      %add3A_140 = arith.addi %add3A_139, %add3A_138 : i32
      %get3A_141 = arith.index_cast %add3A_140 : i32 to index
      %get3A_142 = memref.load %arg1[%get3A_141] : memref<6272xi32, #tpu.memory_space<smem>>
      %get3A_143 = arith.index_cast %get3A_142 : i32 to index
      %get3A_144 = arith.constant 0 : index
      %get3A_145 = arith.constant 0 : index
      %get3A_146 = vector.load %arg2[%get3A_143, %get3A_144, %get3A_145] : memref<1000x16x128xf32, #tpu.memory_space<vmem>>, vector<1x16x128xf32>
      %get3A_147 = vector.shape_cast %get3A_146 : vector<1x16x128xf32> to vector<16x128xf32>
      %get3A_148 = arith.index_cast %add3A_138 : i32 to index
      %get3A_149 = arith.constant 0 : index
      %get3A_150 = arith.constant 0 : index
      %get3A_151 = vector.load %arg3[%get3A_148, %get3A_149, %get3A_150] : memref<784x16x128xf32, #tpu.memory_space<vmem>>, vector<1x16x128xf32>
      %get3A_152 = vector.shape_cast %get3A_151 : vector<1x16x128xf32> to vector<16x128xf32>
      %mul3A_153 = arith.mulf %get3A_147, %get3A_152 : vector<16x128xf32>
      %add3A_154 = arith.addf %add3A_134, %mul3A_153 : vector<16x128xf32>
      %mul3A_155 = arith.constant 8 : i32
      %mul3A_156 = arith.muli %scan3A_116, %mul3A_155 : i32
      %add3A_157 = arith.constant 2 : i32
      %add3A_158 = arith.addi %mul3A_156, %add3A_157 : i32
      %add3A_159 = arith.constant 3920 : i32
      %add3A_160 = arith.addi %add3A_159, %add3A_158 : i32
      %get3A_161 = arith.index_cast %add3A_160 : i32 to index
      %get3A_162 = memref.load %arg1[%get3A_161] : memref<6272xi32, #tpu.memory_space<smem>>
      %get3A_163 = arith.index_cast %get3A_162 : i32 to index
      %get3A_164 = arith.constant 0 : index
      %get3A_165 = arith.constant 0 : index
      %get3A_166 = vector.load %arg2[%get3A_163, %get3A_164, %get3A_165] : memref<1000x16x128xf32, #tpu.memory_space<vmem>>, vector<1x16x128xf32>
      %get3A_167 = vector.shape_cast %get3A_166 : vector<1x16x128xf32> to vector<16x128xf32>
      %get3A_168 = arith.index_cast %add3A_158 : i32 to index
      %get3A_169 = arith.constant 0 : index
      %get3A_170 = arith.constant 0 : index
      %get3A_171 = vector.load %arg3[%get3A_168, %get3A_169, %get3A_170] : memref<784x16x128xf32, #tpu.memory_space<vmem>>, vector<1x16x128xf32>
      %get3A_172 = vector.shape_cast %get3A_171 : vector<1x16x128xf32> to vector<16x128xf32>
      %mul3A_173 = arith.mulf %get3A_167, %get3A_172 : vector<16x128xf32>
      %add3A_174 = arith.addf %add3A_154, %mul3A_173 : vector<16x128xf32>
      %mul3A_175 = arith.constant 8 : i32
      %mul3A_176 = arith.muli %scan3A_116, %mul3A_175 : i32
      %add3A_177 = arith.constant 3 : i32
      %add3A_178 = arith.addi %mul3A_176, %add3A_177 : i32
      %add3A_179 = arith.constant 3920 : i32
      %add3A_180 = arith.addi %add3A_179, %add3A_178 : i32
      %get3A_181 = arith.index_cast %add3A_180 : i32 to index
      %get3A_182 = memref.load %arg1[%get3A_181] : memref<6272xi32, #tpu.memory_space<smem>>
      %get3A_183 = arith.index_cast %get3A_182 : i32 to index
      %get3A_184 = arith.constant 0 : index
      %get3A_185 = arith.constant 0 : index
      %get3A_186 = vector.load %arg2[%get3A_183, %get3A_184, %get3A_185] : memref<1000x16x128xf32, #tpu.memory_space<vmem>>, vector<1x16x128xf32>
      %get3A_187 = vector.shape_cast %get3A_186 : vector<1x16x128xf32> to vector<16x128xf32>
      %get3A_188 = arith.index_cast %add3A_178 : i32 to index
      %get3A_189 = arith.constant 0 : index
      %get3A_190 = arith.constant 0 : index
      %get3A_191 = vector.load %arg3[%get3A_188, %get3A_189, %get3A_190] : memref<784x16x128xf32, #tpu.memory_space<vmem>>, vector<1x16x128xf32>
      %get3A_192 = vector.shape_cast %get3A_191 : vector<1x16x128xf32> to vector<16x128xf32>
      %mul3A_193 = arith.mulf %get3A_187, %get3A_192 : vector<16x128xf32>
      %add3A_194 = arith.addf %add3A_174, %mul3A_193 : vector<16x128xf32>
      %mul3A_195 = arith.constant 8 : i32
      %mul3A_196 = arith.muli %scan3A_116, %mul3A_195 : i32
      %add3A_197 = arith.constant 4 : i32
      %add3A_198 = arith.addi %mul3A_196, %add3A_197 : i32
      %add3A_199 = arith.constant 3920 : i32
      %add3A_200 = arith.addi %add3A_199, %add3A_198 : i32
      %get3A_201 = arith.index_cast %add3A_200 : i32 to index
      %get3A_202 = memref.load %arg1[%get3A_201] : memref<6272xi32, #tpu.memory_space<smem>>
      %get3A_203 = arith.index_cast %get3A_202 : i32 to index
      %get3A_204 = arith.constant 0 : index
      %get3A_205 = arith.constant 0 : index
      %get3A_206 = vector.load %arg2[%get3A_203, %get3A_204, %get3A_205] : memref<1000x16x128xf32, #tpu.memory_space<vmem>>, vector<1x16x128xf32>
      %get3A_207 = vector.shape_cast %get3A_206 : vector<1x16x128xf32> to vector<16x128xf32>
      %get3A_208 = arith.index_cast %add3A_198 : i32 to index
      %get3A_209 = arith.constant 0 : index
      %get3A_210 = arith.constant 0 : index
      %get3A_211 = vector.load %arg3[%get3A_208, %get3A_209, %get3A_210] : memref<784x16x128xf32, #tpu.memory_space<vmem>>, vector<1x16x128xf32>
      %get3A_212 = vector.shape_cast %get3A_211 : vector<1x16x128xf32> to vector<16x128xf32>
      %mul3A_213 = arith.mulf %get3A_207, %get3A_212 : vector<16x128xf32>
      %add3A_214 = arith.addf %add3A_194, %mul3A_213 : vector<16x128xf32>
      %mul3A_215 = arith.constant 8 : i32
      %mul3A_216 = arith.muli %scan3A_116, %mul3A_215 : i32
      %add3A_217 = arith.constant 5 : i32
      %add3A_218 = arith.addi %mul3A_216, %add3A_217 : i32
      %add3A_219 = arith.constant 3920 : i32
      %add3A_220 = arith.addi %add3A_219, %add3A_218 : i32
      %get3A_221 = arith.index_cast %add3A_220 : i32 to index
      %get3A_222 = memref.load %arg1[%get3A_221] : memref<6272xi32, #tpu.memory_space<smem>>
      %get3A_223 = arith.index_cast %get3A_222 : i32 to index
      %get3A_224 = arith.constant 0 : index
      %get3A_225 = arith.constant 0 : index
      %get3A_226 = vector.load %arg2[%get3A_223, %get3A_224, %get3A_225] : memref<1000x16x128xf32, #tpu.memory_space<vmem>>, vector<1x16x128xf32>
      %get3A_227 = vector.shape_cast %get3A_226 : vector<1x16x128xf32> to vector<16x128xf32>
      %get3A_228 = arith.index_cast %add3A_218 : i32 to index
      %get3A_229 = arith.constant 0 : index
      %get3A_230 = arith.constant 0 : index
      %get3A_231 = vector.load %arg3[%get3A_228, %get3A_229, %get3A_230] : memref<784x16x128xf32, #tpu.memory_space<vmem>>, vector<1x16x128xf32>
      %get3A_232 = vector.shape_cast %get3A_231 : vector<1x16x128xf32> to vector<16x128xf32>
      %mul3A_233 = arith.mulf %get3A_227, %get3A_232 : vector<16x128xf32>
      %add3A_234 = arith.addf %add3A_214, %mul3A_233 : vector<16x128xf32>
      %mul3A_235 = arith.constant 8 : i32
      %mul3A_236 = arith.muli %scan3A_116, %mul3A_235 : i32
      %add3A_237 = arith.constant 6 : i32
      %add3A_238 = arith.addi %mul3A_236, %add3A_237 : i32
      %add3A_239 = arith.constant 3920 : i32
      %add3A_240 = arith.addi %add3A_239, %add3A_238 : i32
      %get3A_241 = arith.index_cast %add3A_240 : i32 to index
      %get3A_242 = memref.load %arg1[%get3A_241] : memref<6272xi32, #tpu.memory_space<smem>>
      %get3A_243 = arith.index_cast %get3A_242 : i32 to index
      %get3A_244 = arith.constant 0 : index
      %get3A_245 = arith.constant 0 : index
      %get3A_246 = vector.load %arg2[%get3A_243, %get3A_244, %get3A_245] : memref<1000x16x128xf32, #tpu.memory_space<vmem>>, vector<1x16x128xf32>
      %get3A_247 = vector.shape_cast %get3A_246 : vector<1x16x128xf32> to vector<16x128xf32>
      %get3A_248 = arith.index_cast %add3A_238 : i32 to index
      %get3A_249 = arith.constant 0 : index
      %get3A_250 = arith.constant 0 : index
      %get3A_251 = vector.load %arg3[%get3A_248, %get3A_249, %get3A_250] : memref<784x16x128xf32, #tpu.memory_space<vmem>>, vector<1x16x128xf32>
      %get3A_252 = vector.shape_cast %get3A_251 : vector<1x16x128xf32> to vector<16x128xf32>
      %mul3A_253 = arith.mulf %get3A_247, %get3A_252 : vector<16x128xf32>
      %add3A_254 = arith.addf %add3A_234, %mul3A_253 : vector<16x128xf32>
      %mul3A_255 = arith.constant 8 : i32
      %mul3A_256 = arith.muli %scan3A_116, %mul3A_255 : i32
      %add3A_257 = arith.constant 7 : i32
      %add3A_258 = arith.addi %mul3A_256, %add3A_257 : i32
      %add3A_259 = arith.constant 3920 : i32
      %add3A_260 = arith.addi %add3A_259, %add3A_258 : i32
      %get3A_261 = arith.index_cast %add3A_260 : i32 to index
      %get3A_262 = memref.load %arg1[%get3A_261] : memref<6272xi32, #tpu.memory_space<smem>>
      %get3A_263 = arith.index_cast %get3A_262 : i32 to index
      %get3A_264 = arith.constant 0 : index
      %get3A_265 = arith.constant 0 : index
      %get3A_266 = vector.load %arg2[%get3A_263, %get3A_264, %get3A_265] : memref<1000x16x128xf32, #tpu.memory_space<vmem>>, vector<1x16x128xf32>
      %get3A_267 = vector.shape_cast %get3A_266 : vector<1x16x128xf32> to vector<16x128xf32>
      %get3A_268 = arith.index_cast %add3A_258 : i32 to index
      %get3A_269 = arith.constant 0 : index
      %get3A_270 = arith.constant 0 : index
      %get3A_271 = vector.load %arg3[%get3A_268, %get3A_269, %get3A_270] : memref<784x16x128xf32, #tpu.memory_space<vmem>>, vector<1x16x128xf32>
      %get3A_272 = vector.shape_cast %get3A_271 : vector<1x16x128xf32> to vector<16x128xf32>
      %mul3A_273 = arith.mulf %get3A_267, %get3A_272 : vector<16x128xf32>
      %add3A_274 = arith.addf %add3A_254, %mul3A_273 : vector<16x128xf32>
      scf.yield %add3A_274 : vector<16x128xf32>
    }
    %scan3A_78 = arith.constant 98 : i32
    %tanh3A_79 = math.tanh %scan3A_77 : vector<16x128xf32>
    %swap3A_80 = arith.constant 5 : index
    %swap3A_81 = arith.constant 0 : index
    %swap3A_82 = arith.constant 0 : index
    %swap3A_83 = vector.load %arg4[%swap3A_80, %swap3A_81, %swap3A_82] : memref<8x16x128xf32, #tpu.memory_space<vmem>>, vector<1x16x128xf32>
    %swap3A_84 = vector.shape_cast %swap3A_83 : vector<1x16x128xf32> to vector<16x128xf32>
    %swap3A_85 = vector.shape_cast %tanh3A_79 : vector<16x128xf32> to vector<1x16x128xf32>
    tpu.vector_store %arg4[%swap3A_80, %swap3A_81, %swap3A_82], %swap3A_85 {strides = array<i32>} : memref<8x16x128xf32, #tpu.memory_space<vmem>>, vector<1x16x128xf32>,
    %broadcast_in_dim3A_86 = arith.constant 0.000000e+00 : f32
    %broadcast_in_dim3A_87 = vector.broadcast %broadcast_in_dim3A_86 : f32 to vector<16x128xf32>
    %scan3A_88 = arith.constant 0 : i32
    %scan3A_89 = arith.constant 98 : i32
    %scan3A_90 = arith.addi %scan3A_88, %scan3A_89 : i32
    %scan3A_91 = arith.constant 1 : i32
    %scan3A_92 = scf.for %scan3A_116 = %scan3A_88 to %scan3A_90 step %scan3A_91 iter_args(%scan3A_117 = %broadcast_in_dim3A_87) -> (vector<16x128xf32>)  : i32 {
      %mul3A = arith.constant 8 : i32
      %mul3A_118 = arith.muli %scan3A_116, %mul3A : i32
      %add3A = arith.constant 0 : i32
      %add3A_119 = arith.addi %mul3A_118, %add3A : i32
      %add3A_120 = arith.constant 4704 : i32
      %add3A_121 = arith.addi %add3A_120, %add3A_119 : i32
      %get3A = arith.index_cast %add3A_121 : i32 to index
      %get3A_122 = memref.load %arg1[%get3A] : memref<6272xi32, #tpu.memory_space<smem>>
      %get3A_123 = arith.index_cast %get3A_122 : i32 to index
      %get3A_124 = arith.constant 0 : index
      %get3A_125 = arith.constant 0 : index
      %get3A_126 = vector.load %arg2[%get3A_123, %get3A_124, %get3A_125] : memref<1000x16x128xf32, #tpu.memory_space<vmem>>, vector<1x16x128xf32>
      %get3A_127 = vector.shape_cast %get3A_126 : vector<1x16x128xf32> to vector<16x128xf32>
      %get3A_128 = arith.index_cast %add3A_119 : i32 to index
      %get3A_129 = arith.constant 0 : index
      %get3A_130 = arith.constant 0 : index
      %get3A_131 = vector.load %arg3[%get3A_128, %get3A_129, %get3A_130] : memref<784x16x128xf32, #tpu.memory_space<vmem>>, vector<1x16x128xf32>
      %get3A_132 = vector.shape_cast %get3A_131 : vector<1x16x128xf32> to vector<16x128xf32>
      %mul3A_133 = arith.mulf %get3A_127, %get3A_132 : vector<16x128xf32>
      %add3A_134 = arith.addf %scan3A_117, %mul3A_133 : vector<16x128xf32>
      %mul3A_135 = arith.constant 8 : i32
      %mul3A_136 = arith.muli %scan3A_116, %mul3A_135 : i32
      %add3A_137 = arith.constant 1 : i32
      %add3A_138 = arith.addi %mul3A_136, %add3A_137 : i32
      %add3A_139 = arith.constant 4704 : i32
      %add3A_140 = arith.addi %add3A_139, %add3A_138 : i32
      %get3A_141 = arith.index_cast %add3A_140 : i32 to index
      %get3A_142 = memref.load %arg1[%get3A_141] : memref<6272xi32, #tpu.memory_space<smem>>
      %get3A_143 = arith.index_cast %get3A_142 : i32 to index
      %get3A_144 = arith.constant 0 : index
      %get3A_145 = arith.constant 0 : index
      %get3A_146 = vector.load %arg2[%get3A_143, %get3A_144, %get3A_145] : memref<1000x16x128xf32, #tpu.memory_space<vmem>>, vector<1x16x128xf32>
      %get3A_147 = vector.shape_cast %get3A_146 : vector<1x16x128xf32> to vector<16x128xf32>
      %get3A_148 = arith.index_cast %add3A_138 : i32 to index
      %get3A_149 = arith.constant 0 : index
      %get3A_150 = arith.constant 0 : index
      %get3A_151 = vector.load %arg3[%get3A_148, %get3A_149, %get3A_150] : memref<784x16x128xf32, #tpu.memory_space<vmem>>, vector<1x16x128xf32>
      %get3A_152 = vector.shape_cast %get3A_151 : vector<1x16x128xf32> to vector<16x128xf32>
      %mul3A_153 = arith.mulf %get3A_147, %get3A_152 : vector<16x128xf32>
      %add3A_154 = arith.addf %add3A_134, %mul3A_153 : vector<16x128xf32>
      %mul3A_155 = arith.constant 8 : i32
      %mul3A_156 = arith.muli %scan3A_116, %mul3A_155 : i32
      %add3A_157 = arith.constant 2 : i32
      %add3A_158 = arith.addi %mul3A_156, %add3A_157 : i32
      %add3A_159 = arith.constant 4704 : i32
      %add3A_160 = arith.addi %add3A_159, %add3A_158 : i32
      %get3A_161 = arith.index_cast %add3A_160 : i32 to index
      %get3A_162 = memref.load %arg1[%get3A_161] : memref<6272xi32, #tpu.memory_space<smem>>
      %get3A_163 = arith.index_cast %get3A_162 : i32 to index
      %get3A_164 = arith.constant 0 : index
      %get3A_165 = arith.constant 0 : index
      %get3A_166 = vector.load %arg2[%get3A_163, %get3A_164, %get3A_165] : memref<1000x16x128xf32, #tpu.memory_space<vmem>>, vector<1x16x128xf32>
      %get3A_167 = vector.shape_cast %get3A_166 : vector<1x16x128xf32> to vector<16x128xf32>
      %get3A_168 = arith.index_cast %add3A_158 : i32 to index
      %get3A_169 = arith.constant 0 : index
      %get3A_170 = arith.constant 0 : index
      %get3A_171 = vector.load %arg3[%get3A_168, %get3A_169, %get3A_170] : memref<784x16x128xf32, #tpu.memory_space<vmem>>, vector<1x16x128xf32>
      %get3A_172 = vector.shape_cast %get3A_171 : vector<1x16x128xf32> to vector<16x128xf32>
      %mul3A_173 = arith.mulf %get3A_167, %get3A_172 : vector<16x128xf32>
      %add3A_174 = arith.addf %add3A_154, %mul3A_173 : vector<16x128xf32>
      %mul3A_175 = arith.constant 8 : i32
      %mul3A_176 = arith.muli %scan3A_116, %mul3A_175 : i32
      %add3A_177 = arith.constant 3 : i32
      %add3A_178 = arith.addi %mul3A_176, %add3A_177 : i32
      %add3A_179 = arith.constant 4704 : i32
      %add3A_180 = arith.addi %add3A_179, %add3A_178 : i32
      %get3A_181 = arith.index_cast %add3A_180 : i32 to index
      %get3A_182 = memref.load %arg1[%get3A_181] : memref<6272xi32, #tpu.memory_space<smem>>
      %get3A_183 = arith.index_cast %get3A_182 : i32 to index
      %get3A_184 = arith.constant 0 : index
      %get3A_185 = arith.constant 0 : index
      %get3A_186 = vector.load %arg2[%get3A_183, %get3A_184, %get3A_185] : memref<1000x16x128xf32, #tpu.memory_space<vmem>>, vector<1x16x128xf32>
      %get3A_187 = vector.shape_cast %get3A_186 : vector<1x16x128xf32> to vector<16x128xf32>
      %get3A_188 = arith.index_cast %add3A_178 : i32 to index
      %get3A_189 = arith.constant 0 : index
      %get3A_190 = arith.constant 0 : index
      %get3A_191 = vector.load %arg3[%get3A_188, %get3A_189, %get3A_190] : memref<784x16x128xf32, #tpu.memory_space<vmem>>, vector<1x16x128xf32>
      %get3A_192 = vector.shape_cast %get3A_191 : vector<1x16x128xf32> to vector<16x128xf32>
      %mul3A_193 = arith.mulf %get3A_187, %get3A_192 : vector<16x128xf32>
      %add3A_194 = arith.addf %add3A_174, %mul3A_193 : vector<16x128xf32>
      %mul3A_195 = arith.constant 8 : i32
      %mul3A_196 = arith.muli %scan3A_116, %mul3A_195 : i32
      %add3A_197 = arith.constant 4 : i32
      %add3A_198 = arith.addi %mul3A_196, %add3A_197 : i32
      %add3A_199 = arith.constant 4704 : i32
      %add3A_200 = arith.addi %add3A_199, %add3A_198 : i32
      %get3A_201 = arith.index_cast %add3A_200 : i32 to index
      %get3A_202 = memref.load %arg1[%get3A_201] : memref<6272xi32, #tpu.memory_space<smem>>
      %get3A_203 = arith.index_cast %get3A_202 : i32 to index
      %get3A_204 = arith.constant 0 : index
      %get3A_205 = arith.constant 0 : index
      %get3A_206 = vector.load %arg2[%get3A_203, %get3A_204, %get3A_205] : memref<1000x16x128xf32, #tpu.memory_space<vmem>>, vector<1x16x128xf32>
      %get3A_207 = vector.shape_cast %get3A_206 : vector<1x16x128xf32> to vector<16x128xf32>
      %get3A_208 = arith.index_cast %add3A_198 : i32 to index
      %get3A_209 = arith.constant 0 : index
      %get3A_210 = arith.constant 0 : index
      %get3A_211 = vector.load %arg3[%get3A_208, %get3A_209, %get3A_210] : memref<784x16x128xf32, #tpu.memory_space<vmem>>, vector<1x16x128xf32>
      %get3A_212 = vector.shape_cast %get3A_211 : vector<1x16x128xf32> to vector<16x128xf32>
      %mul3A_213 = arith.mulf %get3A_207, %get3A_212 : vector<16x128xf32>
      %add3A_214 = arith.addf %add3A_194, %mul3A_213 : vector<16x128xf32>
      %mul3A_215 = arith.constant 8 : i32
      %mul3A_216 = arith.muli %scan3A_116, %mul3A_215 : i32
      %add3A_217 = arith.constant 5 : i32
      %add3A_218 = arith.addi %mul3A_216, %add3A_217 : i32
      %add3A_219 = arith.constant 4704 : i32
      %add3A_220 = arith.addi %add3A_219, %add3A_218 : i32
      %get3A_221 = arith.index_cast %add3A_220 : i32 to index
      %get3A_222 = memref.load %arg1[%get3A_221] : memref<6272xi32, #tpu.memory_space<smem>>
      %get3A_223 = arith.index_cast %get3A_222 : i32 to index
      %get3A_224 = arith.constant 0 : index
      %get3A_225 = arith.constant 0 : index
      %get3A_226 = vector.load %arg2[%get3A_223, %get3A_224, %get3A_225] : memref<1000x16x128xf32, #tpu.memory_space<vmem>>, vector<1x16x128xf32>
      %get3A_227 = vector.shape_cast %get3A_226 : vector<1x16x128xf32> to vector<16x128xf32>
      %get3A_228 = arith.index_cast %add3A_218 : i32 to index
      %get3A_229 = arith.constant 0 : index
      %get3A_230 = arith.constant 0 : index
      %get3A_231 = vector.load %arg3[%get3A_228, %get3A_229, %get3A_230] : memref<784x16x128xf32, #tpu.memory_space<vmem>>, vector<1x16x128xf32>
      %get3A_232 = vector.shape_cast %get3A_231 : vector<1x16x128xf32> to vector<16x128xf32>
      %mul3A_233 = arith.mulf %get3A_227, %get3A_232 : vector<16x128xf32>
      %add3A_234 = arith.addf %add3A_214, %mul3A_233 : vector<16x128xf32>
      %mul3A_235 = arith.constant 8 : i32
      %mul3A_236 = arith.muli %scan3A_116, %mul3A_235 : i32
      %add3A_237 = arith.constant 6 : i32
      %add3A_238 = arith.addi %mul3A_236, %add3A_237 : i32
      %add3A_239 = arith.constant 4704 : i32
      %add3A_240 = arith.addi %add3A_239, %add3A_238 : i32
      %get3A_241 = arith.index_cast %add3A_240 : i32 to index
      %get3A_242 = memref.load %arg1[%get3A_241] : memref<6272xi32, #tpu.memory_space<smem>>
      %get3A_243 = arith.index_cast %get3A_242 : i32 to index
      %get3A_244 = arith.constant 0 : index
      %get3A_245 = arith.constant 0 : index
      %get3A_246 = vector.load %arg2[%get3A_243, %get3A_244, %get3A_245] : memref<1000x16x128xf32, #tpu.memory_space<vmem>>, vector<1x16x128xf32>
      %get3A_247 = vector.shape_cast %get3A_246 : vector<1x16x128xf32> to vector<16x128xf32>
      %get3A_248 = arith.index_cast %add3A_238 : i32 to index
      %get3A_249 = arith.constant 0 : index
      %get3A_250 = arith.constant 0 : index
      %get3A_251 = vector.load %arg3[%get3A_248, %get3A_249, %get3A_250] : memref<784x16x128xf32, #tpu.memory_space<vmem>>, vector<1x16x128xf32>
      %get3A_252 = vector.shape_cast %get3A_251 : vector<1x16x128xf32> to vector<16x128xf32>
      %mul3A_253 = arith.mulf %get3A_247, %get3A_252 : vector<16x128xf32>
      %add3A_254 = arith.addf %add3A_234, %mul3A_253 : vector<16x128xf32>
      %mul3A_255 = arith.constant 8 : i32
      %mul3A_256 = arith.muli %scan3A_116, %mul3A_255 : i32
      %add3A_257 = arith.constant 7 : i32
      %add3A_258 = arith.addi %mul3A_256, %add3A_257 : i32
      %add3A_259 = arith.constant 4704 : i32
      %add3A_260 = arith.addi %add3A_259, %add3A_258 : i32
      %get3A_261 = arith.index_cast %add3A_260 : i32 to index
      %get3A_262 = memref.load %arg1[%get3A_261] : memref<6272xi32, #tpu.memory_space<smem>>
      %get3A_263 = arith.index_cast %get3A_262 : i32 to index
      %get3A_264 = arith.constant 0 : index
      %get3A_265 = arith.constant 0 : index
      %get3A_266 = vector.load %arg2[%get3A_263, %get3A_264, %get3A_265] : memref<1000x16x128xf32, #tpu.memory_space<vmem>>, vector<1x16x128xf32>
      %get3A_267 = vector.shape_cast %get3A_266 : vector<1x16x128xf32> to vector<16x128xf32>
      %get3A_268 = arith.index_cast %add3A_258 : i32 to index
      %get3A_269 = arith.constant 0 : index
      %get3A_270 = arith.constant 0 : index
      %get3A_271 = vector.load %arg3[%get3A_268, %get3A_269, %get3A_270] : memref<784x16x128xf32, #tpu.memory_space<vmem>>, vector<1x16x128xf32>
      %get3A_272 = vector.shape_cast %get3A_271 : vector<1x16x128xf32> to vector<16x128xf32>
      %mul3A_273 = arith.mulf %get3A_267, %get3A_272 : vector<16x128xf32>
      %add3A_274 = arith.addf %add3A_254, %mul3A_273 : vector<16x128xf32>
      scf.yield %add3A_274 : vector<16x128xf32>
    }
    %scan3A_93 = arith.constant 98 : i32
    %tanh3A_94 = math.tanh %scan3A_92 : vector<16x128xf32>
    %swap3A_95 = arith.constant 6 : index
    %swap3A_96 = arith.constant 0 : index
    %swap3A_97 = arith.constant 0 : index
    %swap3A_98 = vector.load %arg4[%swap3A_95, %swap3A_96, %swap3A_97] : memref<8x16x128xf32, #tpu.memory_space<vmem>>, vector<1x16x128xf32>
    %swap3A_99 = vector.shape_cast %swap3A_98 : vector<1x16x128xf32> to vector<16x128xf32>
    %swap3A_100 = vector.shape_cast %tanh3A_94 : vector<16x128xf32> to vector<1x16x128xf32>
    tpu.vector_store %arg4[%swap3A_95, %swap3A_96, %swap3A_97], %swap3A_100 {strides = array<i32>} : memref<8x16x128xf32, #tpu.memory_space<vmem>>, vector<1x16x128xf32>,
    %broadcast_in_dim3A_101 = arith.constant 0.000000e+00 : f32
    %broadcast_in_dim3A_102 = vector.broadcast %broadcast_in_dim3A_101 : f32 to vector<16x128xf32>
    %scan3A_103 = arith.constant 0 : i32
    %scan3A_104 = arith.constant 98 : i32
    %scan3A_105 = arith.addi %scan3A_103, %scan3A_104 : i32
    %scan3A_106 = arith.constant 1 : i32
    %scan3A_107 = scf.for %scan3A_116 = %scan3A_103 to %scan3A_105 step %scan3A_106 iter_args(%scan3A_117 = %broadcast_in_dim3A_102) -> (vector<16x128xf32>)  : i32 {
      %mul3A = arith.constant 8 : i32
      %mul3A_118 = arith.muli %scan3A_116, %mul3A : i32
      %add3A = arith.constant 0 : i32
      %add3A_119 = arith.addi %mul3A_118, %add3A : i32
      %add3A_120 = arith.constant 5488 : i32
      %add3A_121 = arith.addi %add3A_120, %add3A_119 : i32
      %get3A = arith.index_cast %add3A_121 : i32 to index
      %get3A_122 = memref.load %arg1[%get3A] : memref<6272xi32, #tpu.memory_space<smem>>
      %get3A_123 = arith.index_cast %get3A_122 : i32 to index
      %get3A_124 = arith.constant 0 : index
      %get3A_125 = arith.constant 0 : index
      %get3A_126 = vector.load %arg2[%get3A_123, %get3A_124, %get3A_125] : memref<1000x16x128xf32, #tpu.memory_space<vmem>>, vector<1x16x128xf32>
      %get3A_127 = vector.shape_cast %get3A_126 : vector<1x16x128xf32> to vector<16x128xf32>
      %get3A_128 = arith.index_cast %add3A_119 : i32 to index
      %get3A_129 = arith.constant 0 : index
      %get3A_130 = arith.constant 0 : index
      %get3A_131 = vector.load %arg3[%get3A_128, %get3A_129, %get3A_130] : memref<784x16x128xf32, #tpu.memory_space<vmem>>, vector<1x16x128xf32>
      %get3A_132 = vector.shape_cast %get3A_131 : vector<1x16x128xf32> to vector<16x128xf32>
      %mul3A_133 = arith.mulf %get3A_127, %get3A_132 : vector<16x128xf32>
      %add3A_134 = arith.addf %scan3A_117, %mul3A_133 : vector<16x128xf32>
      %mul3A_135 = arith.constant 8 : i32
      %mul3A_136 = arith.muli %scan3A_116, %mul3A_135 : i32
      %add3A_137 = arith.constant 1 : i32
      %add3A_138 = arith.addi %mul3A_136, %add3A_137 : i32
      %add3A_139 = arith.constant 5488 : i32
      %add3A_140 = arith.addi %add3A_139, %add3A_138 : i32
      %get3A_141 = arith.index_cast %add3A_140 : i32 to index
      %get3A_142 = memref.load %arg1[%get3A_141] : memref<6272xi32, #tpu.memory_space<smem>>
      %get3A_143 = arith.index_cast %get3A_142 : i32 to index
      %get3A_144 = arith.constant 0 : index
      %get3A_145 = arith.constant 0 : index
      %get3A_146 = vector.load %arg2[%get3A_143, %get3A_144, %get3A_145] : memref<1000x16x128xf32, #tpu.memory_space<vmem>>, vector<1x16x128xf32>
      %get3A_147 = vector.shape_cast %get3A_146 : vector<1x16x128xf32> to vector<16x128xf32>
      %get3A_148 = arith.index_cast %add3A_138 : i32 to index
      %get3A_149 = arith.constant 0 : index
      %get3A_150 = arith.constant 0 : index
      %get3A_151 = vector.load %arg3[%get3A_148, %get3A_149, %get3A_150] : memref<784x16x128xf32, #tpu.memory_space<vmem>>, vector<1x16x128xf32>
      %get3A_152 = vector.shape_cast %get3A_151 : vector<1x16x128xf32> to vector<16x128xf32>
      %mul3A_153 = arith.mulf %get3A_147, %get3A_152 : vector<16x128xf32>
      %add3A_154 = arith.addf %add3A_134, %mul3A_153 : vector<16x128xf32>
      %mul3A_155 = arith.constant 8 : i32
      %mul3A_156 = arith.muli %scan3A_116, %mul3A_155 : i32
      %add3A_157 = arith.constant 2 : i32
      %add3A_158 = arith.addi %mul3A_156, %add3A_157 : i32
      %add3A_159 = arith.constant 5488 : i32
      %add3A_160 = arith.addi %add3A_159, %add3A_158 : i32
      %get3A_161 = arith.index_cast %add3A_160 : i32 to index
      %get3A_162 = memref.load %arg1[%get3A_161] : memref<6272xi32, #tpu.memory_space<smem>>
      %get3A_163 = arith.index_cast %get3A_162 : i32 to index
      %get3A_164 = arith.constant 0 : index
      %get3A_165 = arith.constant 0 : index
      %get3A_166 = vector.load %arg2[%get3A_163, %get3A_164, %get3A_165] : memref<1000x16x128xf32, #tpu.memory_space<vmem>>, vector<1x16x128xf32>
      %get3A_167 = vector.shape_cast %get3A_166 : vector<1x16x128xf32> to vector<16x128xf32>
      %get3A_168 = arith.index_cast %add3A_158 : i32 to index
      %get3A_169 = arith.constant 0 : index
      %get3A_170 = arith.constant 0 : index
      %get3A_171 = vector.load %arg3[%get3A_168, %get3A_169, %get3A_170] : memref<784x16x128xf32, #tpu.memory_space<vmem>>, vector<1x16x128xf32>
      %get3A_172 = vector.shape_cast %get3A_171 : vector<1x16x128xf32> to vector<16x128xf32>
      %mul3A_173 = arith.mulf %get3A_167, %get3A_172 : vector<16x128xf32>
      %add3A_174 = arith.addf %add3A_154, %mul3A_173 : vector<16x128xf32>
      %mul3A_175 = arith.constant 8 : i32
      %mul3A_176 = arith.muli %scan3A_116, %mul3A_175 : i32
      %add3A_177 = arith.constant 3 : i32
      %add3A_178 = arith.addi %mul3A_176, %add3A_177 : i32
      %add3A_179 = arith.constant 5488 : i32
      %add3A_180 = arith.addi %add3A_179, %add3A_178 : i32
      %get3A_181 = arith.index_cast %add3A_180 : i32 to index
      %get3A_182 = memref.load %arg1[%get3A_181] : memref<6272xi32, #tpu.memory_space<smem>>
      %get3A_183 = arith.index_cast %get3A_182 : i32 to index
      %get3A_184 = arith.constant 0 : index
      %get3A_185 = arith.constant 0 : index
      %get3A_186 = vector.load %arg2[%get3A_183, %get3A_184, %get3A_185] : memref<1000x16x128xf32, #tpu.memory_space<vmem>>, vector<1x16x128xf32>
      %get3A_187 = vector.shape_cast %get3A_186 : vector<1x16x128xf32> to vector<16x128xf32>
      %get3A_188 = arith.index_cast %add3A_178 : i32 to index
      %get3A_189 = arith.constant 0 : index
      %get3A_190 = arith.constant 0 : index
      %get3A_191 = vector.load %arg3[%get3A_188, %get3A_189, %get3A_190] : memref<784x16x128xf32, #tpu.memory_space<vmem>>, vector<1x16x128xf32>
      %get3A_192 = vector.shape_cast %get3A_191 : vector<1x16x128xf32> to vector<16x128xf32>
      %mul3A_193 = arith.mulf %get3A_187, %get3A_192 : vector<16x128xf32>
      %add3A_194 = arith.addf %add3A_174, %mul3A_193 : vector<16x128xf32>
      %mul3A_195 = arith.constant 8 : i32
      %mul3A_196 = arith.muli %scan3A_116, %mul3A_195 : i32
      %add3A_197 = arith.constant 4 : i32
      %add3A_198 = arith.addi %mul3A_196, %add3A_197 : i32
      %add3A_199 = arith.constant 5488 : i32
      %add3A_200 = arith.addi %add3A_199, %add3A_198 : i32
      %get3A_201 = arith.index_cast %add3A_200 : i32 to index
      %get3A_202 = memref.load %arg1[%get3A_201] : memref<6272xi32, #tpu.memory_space<smem>>
      %get3A_203 = arith.index_cast %get3A_202 : i32 to index
      %get3A_204 = arith.constant 0 : index
      %get3A_205 = arith.constant 0 : index
      %get3A_206 = vector.load %arg2[%get3A_203, %get3A_204, %get3A_205] : memref<1000x16x128xf32, #tpu.memory_space<vmem>>, vector<1x16x128xf32>
      %get3A_207 = vector.shape_cast %get3A_206 : vector<1x16x128xf32> to vector<16x128xf32>
      %get3A_208 = arith.index_cast %add3A_198 : i32 to index
      %get3A_209 = arith.constant 0 : index
      %get3A_210 = arith.constant 0 : index
      %get3A_211 = vector.load %arg3[%get3A_208, %get3A_209, %get3A_210] : memref<784x16x128xf32, #tpu.memory_space<vmem>>, vector<1x16x128xf32>
      %get3A_212 = vector.shape_cast %get3A_211 : vector<1x16x128xf32> to vector<16x128xf32>
      %mul3A_213 = arith.mulf %get3A_207, %get3A_212 : vector<16x128xf32>
      %add3A_214 = arith.addf %add3A_194, %mul3A_213 : vector<16x128xf32>
      %mul3A_215 = arith.constant 8 : i32
      %mul3A_216 = arith.muli %scan3A_116, %mul3A_215 : i32
      %add3A_217 = arith.constant 5 : i32
      %add3A_218 = arith.addi %mul3A_216, %add3A_217 : i32
      %add3A_219 = arith.constant 5488 : i32
      %add3A_220 = arith.addi %add3A_219, %add3A_218 : i32
      %get3A_221 = arith.index_cast %add3A_220 : i32 to index
      %get3A_222 = memref.load %arg1[%get3A_221] : memref<6272xi32, #tpu.memory_space<smem>>
      %get3A_223 = arith.index_cast %get3A_222 : i32 to index
      %get3A_224 = arith.constant 0 : index
      %get3A_225 = arith.constant 0 : index
      %get3A_226 = vector.load %arg2[%get3A_223, %get3A_224, %get3A_225] : memref<1000x16x128xf32, #tpu.memory_space<vmem>>, vector<1x16x128xf32>
      %get3A_227 = vector.shape_cast %get3A_226 : vector<1x16x128xf32> to vector<16x128xf32>
      %get3A_228 = arith.index_cast %add3A_218 : i32 to index
      %get3A_229 = arith.constant 0 : index
      %get3A_230 = arith.constant 0 : index
      %get3A_231 = vector.load %arg3[%get3A_228, %get3A_229, %get3A_230] : memref<784x16x128xf32, #tpu.memory_space<vmem>>, vector<1x16x128xf32>
      %get3A_232 = vector.shape_cast %get3A_231 : vector<1x16x128xf32> to vector<16x128xf32>
      %mul3A_233 = arith.mulf %get3A_227, %get3A_232 : vector<16x128xf32>
      %add3A_234 = arith.addf %add3A_214, %mul3A_233 : vector<16x128xf32>
      %mul3A_235 = arith.constant 8 : i32
      %mul3A_236 = arith.muli %scan3A_116, %mul3A_235 : i32
      %add3A_237 = arith.constant 6 : i32
      %add3A_238 = arith.addi %mul3A_236, %add3A_237 : i32
      %add3A_239 = arith.constant 5488 : i32
      %add3A_240 = arith.addi %add3A_239, %add3A_238 : i32
      %get3A_241 = arith.index_cast %add3A_240 : i32 to index
      %get3A_242 = memref.load %arg1[%get3A_241] : memref<6272xi32, #tpu.memory_space<smem>>
      %get3A_243 = arith.index_cast %get3A_242 : i32 to index
      %get3A_244 = arith.constant 0 : index
      %get3A_245 = arith.constant 0 : index
      %get3A_246 = vector.load %arg2[%get3A_243, %get3A_244, %get3A_245] : memref<1000x16x128xf32, #tpu.memory_space<vmem>>, vector<1x16x128xf32>
      %get3A_247 = vector.shape_cast %get3A_246 : vector<1x16x128xf32> to vector<16x128xf32>
      %get3A_248 = arith.index_cast %add3A_238 : i32 to index
      %get3A_249 = arith.constant 0 : index
      %get3A_250 = arith.constant 0 : index
      %get3A_251 = vector.load %arg3[%get3A_248, %get3A_249, %get3A_250] : memref<784x16x128xf32, #tpu.memory_space<vmem>>, vector<1x16x128xf32>
      %get3A_252 = vector.shape_cast %get3A_251 : vector<1x16x128xf32> to vector<16x128xf32>
      %mul3A_253 = arith.mulf %get3A_247, %get3A_252 : vector<16x128xf32>
      %add3A_254 = arith.addf %add3A_234, %mul3A_253 : vector<16x128xf32>
      %mul3A_255 = arith.constant 8 : i32
      %mul3A_256 = arith.muli %scan3A_116, %mul3A_255 : i32
      %add3A_257 = arith.constant 7 : i32
      %add3A_258 = arith.addi %mul3A_256, %add3A_257 : i32
      %add3A_259 = arith.constant 5488 : i32
      %add3A_260 = arith.addi %add3A_259, %add3A_258 : i32
      %get3A_261 = arith.index_cast %add3A_260 : i32 to index
      %get3A_262 = memref.load %arg1[%get3A_261] : memref<6272xi32, #tpu.memory_space<smem>>
      %get3A_263 = arith.index_cast %get3A_262 : i32 to index
      %get3A_264 = arith.constant 0 : index
      %get3A_265 = arith.constant 0 : index
      %get3A_266 = vector.load %arg2[%get3A_263, %get3A_264, %get3A_265] : memref<1000x16x128xf32, #tpu.memory_space<vmem>>, vector<1x16x128xf32>
      %get3A_267 = vector.shape_cast %get3A_266 : vector<1x16x128xf32> to vector<16x128xf32>
      %get3A_268 = arith.index_cast %add3A_258 : i32 to index
      %get3A_269 = arith.constant 0 : index
      %get3A_270 = arith.constant 0 : index
      %get3A_271 = vector.load %arg3[%get3A_268, %get3A_269, %get3A_270] : memref<784x16x128xf32, #tpu.memory_space<vmem>>, vector<1x16x128xf32>
      %get3A_272 = vector.shape_cast %get3A_271 : vector<1x16x128xf32> to vector<16x128xf32>
      %mul3A_273 = arith.mulf %get3A_267, %get3A_272 : vector<16x128xf32>
      %add3A_274 = arith.addf %add3A_254, %mul3A_273 : vector<16x128xf32>
      scf.yield %add3A_274 : vector<16x128xf32>
    }
    %scan3A_108 = arith.constant 98 : i32
    %tanh3A_109 = math.tanh %scan3A_107 : vector<16x128xf32>
    %swap3A_110 = arith.constant 7 : index
    %swap3A_111 = arith.constant 0 : index
    %swap3A_112 = arith.constant 0 : index
    %swap3A_113 = vector.load %arg4[%swap3A_110, %swap3A_111, %swap3A_112] : memref<8x16x128xf32, #tpu.memory_space<vmem>>, vector<1x16x128xf32>
    %swap3A_114 = vector.shape_cast %swap3A_113 : vector<1x16x128xf32> to vector<16x128xf32>
    %swap3A_115 = vector.shape_cast %tanh3A_109 : vector<16x128xf32> to vector<1x16x128xf32>
    tpu.vector_store %arg4[%swap3A_110, %swap3A_111, %swap3A_112], %swap3A_115 {strides = array<i32>} : memref<8x16x128xf32, #tpu.memory_space<vmem>>, vector<1x16x128xf32>,
    return
  }
  func.func @transform_0(%arg0: i32, %arg1: memref<6272xi32, #tpu.memory_space<smem>>) -> (i32, i32, i32) {
    %c0_i32 = arith.constant 0 : i32
    %c0_i32_0 = arith.constant 0 : i32
    %c0_i32_1 = arith.constant 0 : i32
    return %c0_i32, %arg0, %c0_i32_0 : i32, i32, i32
  }
  func.func @transform_1(%arg0: i32, %arg1: memref<6272xi32, #tpu.memory_space<smem>>) -> (i32, i32, i32) {
    %c0_i32 = arith.constant 0 : i32
    %c0_i32_0 = arith.constant 0 : i32
    %c0_i32_1 = arith.constant 0 : i32
    return %c0_i32, %arg0, %c0_i32_0 : i32, i32, i32
  }
  func.func @transform_2(%arg0: i32, %arg1: memref<6272xi32, #tpu.memory_space<smem>>) -> (i32, i32, i32) {
    %c0_i32 = arith.constant 0 : i32
    %c0_i32_0 = arith.constant 0 : i32
    %c0_i32_1 = arith.constant 0 : i32
    return %c0_i32, %arg0, %c0_i32_0 : i32, i32, i32
  }
}

module attributes {stable_mosaic.version = 14 : i64} {
  func.func @_classify_body(%arg0: memref<8x10240xf32, #tpu.memory_space<vmem>>, %arg1: memref<128x10240xf32, #tpu.memory_space<vmem>>, %arg2: memref<1x128xf32, #tpu.memory_space<vmem>>, %arg3: memref<8x128xf32, #tpu.memory_space<vmem>>) attributes {dimension_semantics = [], scalar_prefetch = 0 : i64, scratch_operands = 0 : i64, tpu.core_type = #tpu.core_type<tc>} {
    %get3A = arith.constant 0 : index
    %get3A_0 = arith.constant 0 : index
    %get3A_1 = vector.load %arg0[%get3A, %get3A_0] : memref<8x10240xf32, #tpu.memory_space<vmem>>, vector<8x10240xf32>
    %get3A_2 = arith.constant 0 : index
    %get3A_3 = arith.constant 0 : index
    %get3A_4 = vector.load %arg1[%get3A_2, %get3A_3] : memref<128x10240xf32, #tpu.memory_space<vmem>>, vector<128x10240xf32>
    %dot_general3A = arith.constant dense<0.000000e+00> : vector<8x128xf32>
    %dot_general3A_5 = tpu.matmul %get3A_1, %get3A_4, %dot_general3A {dimension_numbers = #tpu.dot_dimension_numbers<[1], [1], [0], [0], [0, 0, 1, 0], [], []>, transpose_lhs_hint = false} : vector<8x10240xf32>, vector<128x10240xf32>, vector<8x128xf32> -> vector<8x128xf32>
    %get3A_6 = arith.constant 0 : index
    %get3A_7 = arith.constant 0 : index
    %get3A_8 = vector.load %arg2[%get3A_6, %get3A_7] : memref<1x128xf32, #tpu.memory_space<vmem>>, vector<1x128xf32>
    %add3A = vector.broadcast %get3A_8 : vector<1x128xf32> to vector<8x128xf32>
    %add3A_9 = arith.addf %dot_general3A_5, %add3A : vector<8x128xf32>
    %swap3A = arith.constant 0 : index
    %swap3A_10 = arith.constant 0 : index
    %swap3A_11 = vector.load %arg3[%swap3A, %swap3A_10] : memref<8x128xf32, #tpu.memory_space<vmem>>, vector<8x128xf32>
    tpu.vector_store %arg3[%swap3A, %swap3A_10], %add3A_9 {strides = array<i32>} : memref<8x128xf32, #tpu.memory_space<vmem>>, vector<8x128xf32>,
    return
  }
}

</mosaic_0001>

<sc_bundles>
// kernel: sparse-core-data-format-call.cloned.1.call-start
scs
called_computation_lowered:
.L_overlay_start_0:
0x0: {  	s1 =	sld [smem:$0x3FD9]  }
0x1: {  	s2 =	sld [smem:$0x3FFE];
	_ =	sdelay $0x1  }
0x2: {  	s3 =	srdreg.scid  }
0x3: {  	s0 =	sand.u32 $0x1, s3  }
0x4: {  	s17 =	sshll.u32 s0, $0xA;
	s1 =	sadd.s32 s2, s1  }
0x5: {  	s1 =	sadd.s32 s1, s17  }
0x6: {  	[smem:$0x3FC3] =	sst s1  }
0x7: {  	_ = 	snop  }
0x8: {  	(tm) =	ssettm $0x1  }
0x9: {  	s18 =	sld [smem:$0x3FFB];
	_ =	sdelay $0x3  }
0xa: {  	_ =	strace s18  }
0xb: {  	s1 =	sld [smem:$0x3FFC];
	_ =	sdelay $0x3  }
0xc: {  	_ =	strace s1  }
0xd: {  	s1 =	sld [smem:$0x3FFD];
	_ =	sdelay $0x3  }
0xe: {  	_ =	strace s1  }
0xf: {  	_ =	strace $0x8FFFFFFF  }
0x10: {  	s19 =	sld [smem:$0x3FDB];
	_ =	sdelay $0x1  }
0x11: {  	s20 =	simm.s32 $_scs_section_size  }
0x12: {  	s4 =	simm.s32 $_size__tile_overlayer_lowered;
	s5 =	simm.s32 $_tile_overlayer_lowered  }
0x13: {  	s23 =	simm.s32 $0x1BFF;
	s22 =	sshll.u32 s5, $0x1;
	s1 =	sadd.s32 s20, s19  }
0x14: {  	s6 =	simm.s32 $0x0;
	s21 =	sshll.u32 s4, $0x1;
	s4 =	sadd.s32 s22, s1  }
0x15: {  	[timem:s6], [sflag:s23] =	dma.local [hbm:s4], s21  }
0x16: {  	_ =	swait.ge [sflag:s23], s21  }
0x17: {  	s2 =	ssub.s32 $0x0, s21;
	[sflag:s23] =	ssyncset.done $0x0  }
0x18: {  	[sflag:s23] =	ssyncadd.s32 s2;
	_ =	sdelay $0x1  }
0x19: {  	s24 =	simm.s32 $0x1B8B  }
0x1a: {  	_ =	swait.ge [sflag:s24], $0x1  }
0x1b: {  	[sflag:s24] =	ssyncset.done $0x0  }
0x1c: {  	s26 =	simm.s32 $0x1B8E;
	s25 =	sld [smem:$0x3FFE];
	[sflag:s24] =	ssyncadd.s32 $0xFFFFFFFF  }
0x1d: {  	s27 =	simm.s32 $execute0_lowered;
	[smem:$0x3FD2] =	sst s26  }
0x1e: {  	s4 =	sshll.u32 s27, $0x1;
	_ =	strace $0x80000046;
	[dreg:$0x1] =	wrdreg $0xFFFFFFFF  }
0x1f: {  	s28 =	simm.s32 $_size_execute0_lowered;
	s1 =	sadd.s32 s1, s4;
	[dreg:$0x0] =	wrdreg $0x0  }
0x20: {  	s4 =	sshll.u32 s28, $0x1;
	[dreg:$0x2] =	wrdreg s1  }
0x21: {  	[dreg:$0x3] =	wrdreg s4  }
0x22: {  	[dreg:$0x4] =	wrdreg $0xC0  }
0x23: {  	_ =	task [dreg:s6], $0x5FFFF  }
0x24: {  	[dreg:$0x1] =	wrdreg $0xFFFFFFFF  }
0x25: {  	[dreg:$0x0] =	wrdreg $0x60  }
0x26: {  	[dreg:$0x2] =	wrdreg s25  }
0x27: {  	[dreg:$0x3] =	wrdreg $0x9  }
0x28: {  	_ =	task.clear_ibuf [dreg:s6], $0x4FFFF;
	_ =	strace $0x90000046  }
0x29: {  	s29 =	simm.s32 $0x9;
	_ =	strace $0x80000048  }
0x2a: {  	_ =	swait.ge [sflag:s29], $0x1  }
0x2b: {  	[sflag:s29] =	ssyncadd.s32 $0xFFFFFFFF  }
0x2c: {  	_ =	strace $0x90000048  }
0x2d: {  	_ =	sfence  }
0x2e: {  	s30 =	sld [smem:$0x0];
	_ =	sdelay $0x2  }
0x2f: {  	s31 =	sshll.u32 s3, $0xD;
	s3 =	sshrl.u32 s3, $0x2  }
0x30: {  	s2 =	sand.u32 $0x4000, s31;
	s1 =	sadd.s32 s3, s30  }
0x31: {  	s0 =	sor.u32 s2, s0;
	s1 =	sshll.u32 s1, $0x11  }
0x32: {  	s0 =	sor.u32 s1, s0  }
0x33: {  	s0 =	sadd.s32 $0x8F2B, s0  }
0x34: {  	[sflag:s0] =	ssyncadd.remote.s32 $0x1  }
0x35: {  	_ =	sfence.sel $0xFFFF  }
0x36: {  	[dreg:$0x0] =	wrdreg $0xFFFFFFFF;
	(pc) =	sbr.abs _section_cstart, $3  }
0x37: {  	[dreg:$0x1] =	wrdreg $0xFFFFFFFF  }
0x38: {  	_ =	task.clear_ibuf [dreg:s6], $0x2FFFF;
	_ =	strace $0x9FFFFFFF  }
0x39: {  	(tm) =	ssettm $0x7FFFFFFF  }
tec
execute0_lowered:
.L_overlay_start_1:
0x0: {  	(tag) =	ssettag $0x1  }
0x1: {  	s0 =	srdreg.scid;
	s6 =	rddreg [dreg:$0x0];
	s4 =	simm.s32 $0x1  }
0x2: {  	s7 =	simm.s32 $0x2;
	s14 =	simm.s32 $0x0;
	s1 =	sshll.u32 s0, $0x4  }
0x3: {  	s8 =	simm.s32 $0x800;
	s0 =	stileid.u32;
	s1 =	sand.u32 $0x10, s1  }
0x4: {  	s9 =	simm.s32 $0x2800;
	s10 =	simm.s32 $0x0;
	s2 =	sor.u32 s0, s1  }
.Ltmp0:
0x5: {  	s15 =	simm.s32 $0x0;
	s3 =	ssub.s32 $0x9C, s2;
	(pc) =	sbr.rel .LBB1_1-.Ltmp0, $4  }
0x6: {  	s11 =	simm.s32 $0x0;
	s13 =	simm.s32 $0x0;
	s5 =	sshrl.u32 s3, $0x5  }
0x7: {  	s1 =	rddreg [dreg:$0x1];
	_ =	strace $0x80000047;
	s5 =	smul.u32 $0x5, s5  }
0x8: {  	[sflag:s4] =	ssyncpa.u1 $0x0;
	s12 =	smov.u32 s2;
	s3 =	sadd.s32 $0xA00, s6  }
0x9: {  	s6 =	sadd.s32 $0x139200, s6;
	[sflag:s7] =	ssyncpa.u1 $0x0;
	s7 =	sadd.s32 $0x1, s5  }
.LBB1_7:
0xa: {  	s16 =	sadd.s32 $0x10, s11  }
0xb: {  	s14 =	sadd.s32 $0x20, s12;
	s18 =	smov.u32 s12;
	p1 =	sgt.s32 s16, $0x4F  }
0xc: {  	s18 =	smov.u32 @p1 s14  }
0xd: {  	s16 =	simm.s32 @p1 $0x0;
	p1 =	sgt.s32 s18, $0x7C  }
0xe: {  	s18 =	smov.u32 @p1 s2;
	p1 =	sne.s32 s13, s7  }
.Ltmp1:
0xf: {  	p0 =	slt.u32 s13, $0x2;
	(pc) =	sbr.rel @!p1 .LBB1_8-.Ltmp1, $4  }
0x10: {  	s17 =	simm.s32 @!p0 $0x2  }
0x11: {  	s15 =	smov.u32 s12;
	s10 =	sadd.s32 $0x4000, s10;
	_ =	swait.ge @!p0 [sflag:s17], $0x4000  }
0x12: {  	s14 =	smov.u32 s11;
	[sflag:s17] =	ssyncset.done @!p0 $0x0;
	s11 =	smov.u32 s16  }
0x13: {  	s13 =	sadd.s32 $0x1, s13;
	[sflag:s17] =	ssyncadd.s32 @!p0 $0xFFFFC000;
	s12 =	smov.u32 s18  }
.LBB1_1:
0x14: {  	p0 =	sge.u32 s13, s5  }
0x15: {  	s16 =	smul.u32 @!p0 $0x2800, s12  }
0x16: {  	s31 =	sadd.s32 $0xFFFFFFFF, s13;
	s17 =	sxor.u32 @!p0 $0xFFFFFFFF, s13  }
0x17: {  	s18 =	sshll.u32 @!p0 s11, $0x7;
	s17 =	sshll.u32 @!p0 s17, $0xE;
	s16 =	sadd.s32 @!p0 s3, s16  }
0x18: {  	s17 =	sand.u32 @!p0 $0x4000, s17;
	s16 =	sadd.s32 @!p0 s18, s16;
	s18 =	simm.s32 @!p0 $0x0  }
0x19: {  	[tilespmem:s17], [sflag:$0x1] =	stream.linear.gather @!p0 [hbm4b:s16+s18], $0x4000, $0x38;
	[tilespmem:$0x10000] =	vst v63  }
0x1a: {  	p0 =	sge.u32 s31, s5  }
.Ltmp2:
0x1b: {  	_ = 	snop;
	(pc) =	sbr.rel @p0 .LBB1_7-.Ltmp2, $1  }
0x1c: {  	_ =	sdelay $0x3  }
0x1d: {  	s16 =	sand.u32 $0x4000, s10  }
0x1e: {  	_ =	swait.ge [sflag:s4], $0x4000;
	s19 =	sshll.u32 s13, $0xE;
	s17 =	sor.u32 $0x8040, s16  }
0x1f: {  	s18 =	sor.u32 $0x40, s16;
	[sflag:s4] =	ssyncset.done $0x0;
	s31 =	sand.u32 $0x4000, s19  }
0x20: {  	s19 =	simm.s32 $0x0;
	[sflag:s4] =	ssyncadd.s32 $0xFFFFC000;
	s16 =	sor.u32 $0x8000, s31  }
.LBB1_3:
0x21: {  	v0 =	vmov s18;
	_ =	sdelay $0x3  }
0x22: {  	s21 =	simm.s32 $0x0  }
0x23: {  	v6 =	vld.idx.msk [tilespmem:v0+s21+$0x30 ss:$0x1], $0xffff  }
0x24: {  	v7 =	vld.idx.msk [tilespmem:v0+s21+$0xFFFFFFC0 ss:$0x1], $0xffff  }
0x25: {  	v5 =	vld.idx.msk [tilespmem:v0+s21+$0xFFFFFFD0 ss:$0x1], $0xffff  }
0x26: {  	v4 =	vld.idx.msk [tilespmem:v0+s21+$0xFFFFFFE0 ss:$0x1], $0xffff  }
0x27: {  	v3 =	vld.idx.msk [tilespmem:v0+s21+$0xFFFFFFF0 ss:$0x1], $0xffff  }
0x28: {  	v1 =	vld.idx.msk [tilespmem:v0+s21+$0x0 ss:$0x1], $0xffff  }
0x29: {  	v2 =	vld.idx.msk [tilespmem:v0+s21+$0x10 ss:$0x1], $0xffff;
	[tilespmem:s17+$0x30] =	vst v6  }
0x2a: {  	s20 =	simm.s32 $0x80;
	s22 =	simm.s32 $0x400;
	[tilespmem:s17+$0xFFFFFFC0] =	vst v7;
	v6 =	vld.idx.msk [tilespmem:v0+s21+$0x20 ss:$0x1], $0xffff;
	s21 =	smov.u32 s17  }
.LBB1_4:
0x2b: {  	p0 =	sne.s32 s22, $0xE00;
	v7 =	vld.idx.msk [tilespmem:v0+s20+$0x30 ss:$0x1], $0xffff;
	[tilespmem:s21+$0xFFFFFFD0] =	vst v5  }
0x2c: {  	v8 =	vld.idx.msk [tilespmem:v0+s20+$0xFFFFFFC0 ss:$0x1], $0xffff;
	[tilespmem:s21+$0xFFFFFFE0] =	vst v4  }
0x2d: {  	v5 =	vld.idx.msk [tilespmem:v0+s20+$0xFFFFFFD0 ss:$0x1], $0xffff;
	[tilespmem:s21+$0xFFFFFFF0] =	vst v3  }
.Ltmp3:
0x2e: {  	v4 =	vld.idx.msk [tilespmem:v0+s20+$0xFFFFFFE0 ss:$0x1], $0xffff;
	[tilespmem:s21+$0x0] =	vst v1;
	(pc) =	sbr.rel @p0 .LBB1_4-.Ltmp3, $4  }
0x2f: {  	v3 =	vld.idx.msk [tilespmem:v0+s20+$0xFFFFFFF0 ss:$0x1], $0xffff;
	[tilespmem:s21+$0x10] =	vst v2  }
0x30: {  	v1 =	vld.idx.msk [tilespmem:v0+s20+$0x0 ss:$0x1], $0xffff;
	[tilespmem:s21+$0x20] =	vst v6;
	s21 =	sadd.s32 $0x800, s21  }
0x31: {  	v2 =	vld.idx.msk [tilespmem:v0+s20+$0x10 ss:$0x1], $0xffff;
	[tilespmem:s21+$0x30] =	vst v7  }
0x32: {  	[tilespmem:s21+$0xFFFFFFC0] =	vst v8;
	v6 =	vld.idx.msk [tilespmem:v0+s20+$0x20 ss:$0x1], $0xffff;
	s20 =	sshra.s32 s22, $0x2;
	s22 =	sadd.s32 $0x200, s22  }
0x33: {  	_ =	sdelay $0x2  }
0x34: {  	[tilespmem:s21+$0xFFFFFFD0] =	vst v5  }
0x35: {  	v56 =	vld.idx.msk [tilespmem:v0+s20+$0x30 ss:$0x1], $0xffff;
	[tilespmem:s21+$0xFFFFFFE0] =	vst v4  }
0x36: {  	v57 =	vld.idx.msk [tilespmem:v0+s20+$0xFFFFFFC0 ss:$0x1], $0xffff;
	[tilespmem:s21+$0xFFFFFFF0] =	vst v3  }
0x37: {  	v58 =	vld.idx.msk [tilespmem:v0+s20+$0xFFFFFFD0 ss:$0x1], $0xffff;
	[tilespmem:s21+$0x0] =	vst v1  }
0x38: {  	v59 =	vld.idx.msk [tilespmem:v0+s20+$0xFFFFFFE0 ss:$0x1], $0xffff;
	[tilespmem:s21+$0x10] =	vst v2  }
0x39: {  	v60 =	vld.idx.msk [tilespmem:v0+s20+$0xFFFFFFF0 ss:$0x1], $0xffff;
	s31 =	sadd.s32 $0x800, s21;
	[tilespmem:s21+$0x20] =	vst v6  }
0x3a: {  	v61 =	vld.idx.msk [tilespmem:v0+s20+$0x0 ss:$0x1], $0xffff;
	[tilespmem:s31+$0x30] =	vst v56  }
0x3b: {  	v62 =	vld.idx.msk [tilespmem:v0+s20+$0x10 ss:$0x1], $0xffff;
	s19 =	sadd.s32 $0x1, s19;
	[tilespmem:s31+$0xFFFFFFC0] =	vst v57  }
0x3c: {  	v63 =	vld.idx.msk [tilespmem:v0+s20+$0x20 ss:$0x1], $0xffff;
	p0 =	sne.s32 s19, $0x10;
	[tilespmem:s31+$0xFFFFFFD0] =	vst v58  }
.Ltmp4:
0x3d: {  	[tilespmem:s31+$0xFFFFFFE0] =	vst v59;
	(pc) =	sbr.rel @p0 .LBB1_3-.Ltmp4, $4  }
0x3e: {  	[tilespmem:s31+$0xFFFFFFF0] =	vst v60  }
0x3f: {  	[tilespmem:s31+$0x0] =	vst v61  }
0x40: {  	[tilespmem:s31+$0x10] =	vst v62  }
0x41: {  	s17 =	sadd.s32 $0x80, s17;
	s18 =	sadd.s32 $0x400, s18;
	[tilespmem:s31+$0x20] =	vst v63  }
0x42: {  	s14 =	sand.u32 $0x1FFFFFF, s14  }
0x43: {  	s17 =	smulhi.u32 $0x3333334, s14  }
0x44: {  	s15 =	smul.u32 $0x2800, s15  }
0x45: {  	s17 =	smul.u32 $0x50, s17  }
.Ltmp5:
0x46: {  	_ = 	snop;
	(pc) =	sbr.rel .LBB1_7-.Ltmp5, $4  }
0x47: {  	s14 =	ssub.s32 s14, s17  }
0x48: {  	s15 =	sadd.s32 s6, s15;
	s14 =	sshll.u32 s14, $0x4  }
0x49: {  	s14 =	sadd.s32 s14, s15  }
0x4a: {  	[hbm4b:s14+s8] =	stream.strided.scatter [tilespmem:s16], [sflag:$0x2], $0x4000, s9, s8, $0x38;
	[tilespmem:$0x10000] =	vst v63  }
.LBB1_8:
0x4b: {  	_ =	sfence.sel $0x180000  }
0x4c: {  	s2 =	simm.s32 $0x1;
	[bflag:$0x0] =	sbarrier.arrive $0xFFFF  }
0x4d: {  	s31 =	simm.s32 $0x2;
	[sflag:s2] =	ssyncpa.u1 $0x1  }
0x4e: {  	[sflag:s31] =	ssyncpa.u1 $0x1  }
0x4f: {  	p0 =	sne.s32 s0, $0x0;
	_ =	strace $0x90000047  }
0x50: {  	s0 =	sadd.s32 @!p0 $0x100000, s1;
	[bflag:$0x2] =	sbarrier.arrive $0xFFFF  }
0x51: {  	[sflag:s0] =	ssyncadd.tile.s32 @!p0 $0x1;
	_ =	shalt  }
.Lfunc_end1:
_tile_overlayer_lowered:
.L_overlay_start_2:
0x52: {  	(tag) =	ssettag $0x2  }
0x53: {  	s0 =	rddreg [dreg:$0x0];
	s2 =	stileid.u32  }
0x54: {  	s1 =	rddreg [dreg:$0x1];
	p0 =	sne.s32 s2, $0x0  }
0x55: {  	s3 =	rddreg [dreg:$0x2];
	[bflag:$0x3] =	sbarrier.arrive $0xFFFF;
	s2 =	simm.s32 @!p0 $0x1C01  }
0x56: {  	[timem:s3], [sflag:s2] =	dma.local @!p0 [hbm:s0], s1  }
0x57: {  	s0 =	simm.s32 @!p0 $0x1  }
0x58: {  	_ =	swait.ge @!p0 [sflag:s0], s1  }
0x59: {  	s1 =	ssub.s32 @!p0 $0x0, s1;
	[sflag:s0] =	ssyncset.done @!p0 $0x0  }
0x5a: {  	[sflag:s0] =	ssyncadd.s32 @!p0 s1  }
0x5b: {  	[bflag:$0x3] =	sbarrier.arrive $0xFFFF  }
0x5c: {  	_ =	shalt  }

</sc_bundles>
